<compile_context>
chip_gen: v7x
topology: tpu7x:2x2x1
jax: 0.10.2.dev20260603
libtpu: 0.0.44.dev20260713+nightly
codegen_flags: <defaults>
</compile_context>

<pallas_src>
import functools

import jax
import jax.numpy as jnp
from jax import lax
from jax.experimental import pallas as pl
from jax.experimental.pallas import tpu as pltpu
from jax.experimental.pallas import tpu_sc as plsc

N = 1024
E = 16384
EDGE_DIM = 16
MAX_PATH = 5

_NC, _NS = 2, 16
_NW = _NC * _NS
_RPW = N // _NW
_ROW_W = N * MAX_PATH
_TBL_W = MAX_PATH * E


def _tc_table_body(evp_ref, eat_ref, o_ref):
    o_ref[...] = lax.dot_general(
        evp_ref[...], eat_ref[...], (((1,), (0,)), ((), ())),
        preferred_element_type=jnp.float32) * (1.0 / MAX_PATH)


def _make_table(edge_attr, edge_vector):
    evp = jnp.zeros((8, EDGE_DIM), jnp.float32).at[:MAX_PATH].set(edge_vector)
    eat = edge_attr.T
    out = pl.pallas_call(
        _tc_table_body,
        out_shape=jax.ShapeDtypeStruct((8, E), jnp.float32),
    )(evp, eat)
    return out.reshape(-1)


_G = 8
_NG = _RPW // _G
_GW = _G * N


def _sc_body(table_hbm, paths_hbm, out_hbm, tbl_v,
             pb0, pb1, pb2, pb3, pb4, obuf, sem_t, sem_i, sem_o):
    wid = lax.axis_index("s") * _NC + lax.axis_index("c")
    base = wid * _RPW
    pbufs = (pb0, pb1, pb2, pb3, pb4)

    def start_in(g, planes):
        r = base + g * _G
        for d in planes:
            pltpu.async_copy(
                paths_hbm.at[d, pl.ds(r, _G)], pbufs[d], sem_i)

    def drain_in():
        for d in range(MAX_PATH):
            pltpu.make_async_copy(
                paths_hbm.at[0, pl.ds(0, _G)], pbufs[d], sem_i).wait()

    def out_slice(g):
        return out_hbm.at[pl.ds(base + g * _G, _G)]

    pltpu.async_copy(table_hbm.at[pl.ds(0, _TBL_W)], tbl_v, sem_t)
    start_in(0, range(MAX_PATH))
    pltpu.make_async_copy(
        table_hbm.at[pl.ds(0, _TBL_W)], tbl_v, sem_t).wait()

    for g in range(_NG):
        drain_in()

        if g > 0:
            pltpu.make_async_copy(out_slice(0), obuf, sem_o).wait()

        @plsc.parallel_loop(0, _GW // 16, 1, unroll=8)
        def chunk(c):
            q = c * 16
            i = q >> 10
            j = q & (N - 1)
            acc = jnp.zeros((16,), jnp.float32)
            for d in range(MAX_PATH):
                p = pbufs[d][i, pl.ds(j, 16)]
                acc = acc + plsc.load_gather(
                    tbl_v.at[pl.ds(d * E, E)], [p])
            obuf[i, pl.ds(j, 16)] = acc

        pltpu.async_copy(obuf, out_slice(g), sem_o)
        if g + 1 < _NG:
            start_in(g + 1, range(MAX_PATH))
    pltpu.make_async_copy(out_slice(0), obuf, sem_o).wait()


@functools.cache
def _sc_call():
    return functools.partial(
        pl.kernel,
        out_type=jax.ShapeDtypeStruct((N, N), jnp.float32),
        mesh=plsc.VectorSubcoreMesh(
            core_axis_name="c", subcore_axis_name="s",
            num_cores=_NC, num_subcores=_NS),
        compiler_params=pltpu.CompilerParams(needs_layout_passes=False),
        scratch_types=[
            pltpu.VMEM((_TBL_W,), jnp.float32),
        ] + [pltpu.VMEM((_G, N), jnp.int32) for _ in range(MAX_PATH)] + [
            pltpu.VMEM((_G, N), jnp.float32),
            pltpu.SemaphoreType.DMA,
            pltpu.SemaphoreType.DMA,
            pltpu.SemaphoreType.DMA,
        ],
    )(_sc_body)


def kernel(x, edge_attr, edge_paths, edge_vector):
    del x
    paths = jnp.transpose(edge_paths.astype(jnp.int32), (2, 0, 1))
    table = _make_table(edge_attr.astype(jnp.float32),
                        edge_vector.astype(jnp.float32))
    return _sc_call()(table, paths)

# --- scband reference (transcript-rebuilt; emitter-appended) ---
"""Pipeline reference for scband-edge-encoding-13855564497055 (READ-ONLY COPY).

The authoritative reference and input builder live on the scoring server;
editing this copy changes nothing except your own understanding.
"""

import jax, jax.numpy as jnp
import numpy as np

N = 1024
E = 16384
EDGE_DIM = 16
MAX_PATH = 5

def setup_inputs(seed: int = 0) -> dict:
    key = jax.random.key(seed)
    k1, k2, k3, k4 = jax.random.split(key, 4)
    x = jax.random.normal(k1, (N, EDGE_DIM), dtype=jnp.float32)
    edge_attr = jax.random.normal(k2, (E, EDGE_DIM), dtype=jnp.float32)
    edge_paths = jax.random.randint(k3, (N, N, MAX_PATH), 0, E, dtype=jnp.int64)
    edge_vector = jax.random.normal(k4, (MAX_PATH, EDGE_DIM), dtype=jnp.float32)
    return {"x": x, "edge_attr": edge_attr, "edge_paths": edge_paths, "edge_vector": edge_vector}

def reference(x, edge_attr, edge_paths, edge_vector):
    # Dense/tensorized equivalent of Graphormer EdgeEncoding:
    # for each (src, dst) pair, path_ij = edge_paths[src, dst, :MAX_PATH]
    # cij[src, dst] = mean_d sum_f edge_vector[d, f] * edge_attr[path_ij[d], f]
    gathered = jnp.take(edge_attr, edge_paths, axis=0)          # [N, N, D, F]
    prod = (edge_vector[None, None, :, :] * gathered).sum(axis=-1)  # [N, N, D]
    cij = prod.mean(axis=-1)                                    # [N, N]
    return jnp.nan_to_num(cij)

if __name__ == "__main__":
    import jax
    _d = setup_inputs()
    print(jax.jit(kernel)(*tuple(_d.values())))

</pallas_src>

<mosaic_0001>
#map = affine_map<(d0, d1) -> (0)>
#map1 = affine_map<(d0, d1) -> (0, 0, 0)>
#map2 = affine_map<(d0, d1) -> (0, 0)>
module attributes {stable_mosaic.version = 14 : i64} {
  func.func @_sc_body(%arg0: i32, %arg1: i32, %arg2: memref<131072xf32, #tpu.memory_space<hbm>>, %arg3: memref<5x1024x1024xi32, #tpu.memory_space<hbm>>, %arg4: memref<1024x1024xf32, #tpu.memory_space<hbm>>, %arg5: memref<81920xf32, #tpu.memory_space<vmem>>, %arg6: memref<8x1024xi32, #tpu.memory_space<vmem>>, %arg7: memref<8x1024xi32, #tpu.memory_space<vmem>>, %arg8: memref<8x1024xi32, #tpu.memory_space<vmem>>, %arg9: memref<8x1024xi32, #tpu.memory_space<vmem>>, %arg10: memref<8x1024xi32, #tpu.memory_space<vmem>>, %arg11: memref<8x1024xf32, #tpu.memory_space<vmem>>, %arg12: memref<!tpu.dma_semaphore, #tpu.memory_space<semaphore_mem>>, %arg13: memref<!tpu.dma_semaphore, #tpu.memory_space<semaphore_mem>>, %arg14: memref<!tpu.dma_semaphore, #tpu.memory_space<semaphore_mem>>) attributes {dimension_semantics = [#tpu.dimension_semantics<core_parallel>, #tpu.dimension_semantics<subcore_parallel>], iteration_bounds = array<i64: 2, 16>, scalar_prefetch = 0 : i64, scratch_operands = 10 : i64, tpu.core_type = #tpu.core_type<sc_vector_subcore>, window_params = [{transform_indices = #map}, {transform_indices = #map1}, {transform_indices = #map2}]} {
    %mul3A = arith.constant 2 : i32
    %mul3A_0 = arith.muli %arg1, %mul3A : i32
    %add3A = arith.addi %mul3A_0, %arg0 : i32
    %mul3A_1 = arith.constant 32 : i32
    %mul3A_2 = arith.muli %add3A, %mul3A_1 : i32
    %dma_start3A = arith.constant 0 : i32
    %dma_start3A_3 = tpu.memref_slice %arg2[%dma_start3A] : memref<131072xf32, #tpu.memory_space<hbm>> -> memref<81920xf32, #tpu.memory_space<hbm>>
    %dma_start3A_4 = arith.constant 0 : i32
    %dma_start3A_5 = tpu.memref_slice %arg2[%dma_start3A_4] : memref<131072xf32, #tpu.memory_space<hbm>> -> memref<81920xf32, #tpu.memory_space<hbm>>
    tpu.enqueue_dma source(%dma_start3A_5 : memref<81920xf32, #tpu.memory_space<hbm>>) target(%arg5 : memref<81920xf32, #tpu.memory_space<vmem>>) target_semaphore(%arg12 : memref<!tpu.dma_semaphore, #tpu.memory_space<semaphore_mem>>)
    %add3A_6 = arith.constant 0 : i32
    %add3A_7 = arith.addi %mul3A_2, %add3A_6 : i32
    %dma_start3A_8 = arith.constant 0 : i32
    %dma_start3A_9 = arith.constant 0 : i32
    %dma_start3A_10 = tpu.memref_slice %arg3[%dma_start3A_8, %add3A_7, %dma_start3A_9] : memref<5x1024x1024xi32, #tpu.memory_space<hbm>> -> memref<1x8x1024xi32, #tpu.memory_space<hbm>>
    %dma_start3A_11 = tpu.memref_squeeze %dma_start3A_10 : memref<1x8x1024xi32, #tpu.memory_space<hbm>> -> memref<8x1024xi32, #tpu.memory_space<hbm>>
    %dma_start3A_12 = arith.constant 0 : i32
    %dma_start3A_13 = tpu.memref_slice %arg3[%dma_start3A_8, %add3A_7, %dma_start3A_12] : memref<5x1024x1024xi32, #tpu.memory_space<hbm>> -> memref<1x8x1024xi32, #tpu.memory_space<hbm>>
    %dma_start3A_14 = tpu.memref_squeeze %dma_start3A_13 : memref<1x8x1024xi32, #tpu.memory_space<hbm>> -> memref<8x1024xi32, #tpu.memory_space<hbm>>
    tpu.enqueue_dma source(%dma_start3A_14 : memref<8x1024xi32, #tpu.memory_space<hbm>>) target(%arg6 : memref<8x1024xi32, #tpu.memory_space<vmem>>) target_semaphore(%arg13 : memref<!tpu.dma_semaphore, #tpu.memory_space<semaphore_mem>>)
    %dma_start3A_15 = arith.constant 1 : i32
    %dma_start3A_16 = arith.constant 0 : i32
    %dma_start3A_17 = tpu.memref_slice %arg3[%dma_start3A_15, %add3A_7, %dma_start3A_16] : memref<5x1024x1024xi32, #tpu.memory_space<hbm>> -> memref<1x8x1024xi32, #tpu.memory_space<hbm>>
    %dma_start3A_18 = tpu.memref_squeeze %dma_start3A_17 : memref<1x8x1024xi32, #tpu.memory_space<hbm>> -> memref<8x1024xi32, #tpu.memory_space<hbm>>
    %dma_start3A_19 = arith.constant 0 : i32
    %dma_start3A_20 = tpu.memref_slice %arg3[%dma_start3A_15, %add3A_7, %dma_start3A_19] : memref<5x1024x1024xi32, #tpu.memory_space<hbm>> -> memref<1x8x1024xi32, #tpu.memory_space<hbm>>
    %dma_start3A_21 = tpu.memref_squeeze %dma_start3A_20 : memref<1x8x1024xi32, #tpu.memory_space<hbm>> -> memref<8x1024xi32, #tpu.memory_space<hbm>>
    tpu.enqueue_dma source(%dma_start3A_21 : memref<8x1024xi32, #tpu.memory_space<hbm>>) target(%arg7 : memref<8x1024xi32, #tpu.memory_space<vmem>>) target_semaphore(%arg13 : memref<!tpu.dma_semaphore, #tpu.memory_space<semaphore_mem>>)
    %dma_start3A_22 = arith.constant 2 : i32
    %dma_start3A_23 = arith.constant 0 : i32
    %dma_start3A_24 = tpu.memref_slice %arg3[%dma_start3A_22, %add3A_7, %dma_start3A_23] : memref<5x1024x1024xi32, #tpu.memory_space<hbm>> -> memref<1x8x1024xi32, #tpu.memory_space<hbm>>
    %dma_start3A_25 = tpu.memref_squeeze %dma_start3A_24 : memref<1x8x1024xi32, #tpu.memory_space<hbm>> -> memref<8x1024xi32, #tpu.memory_space<hbm>>
    %dma_start3A_26 = arith.constant 0 : i32
    %dma_start3A_27 = tpu.memref_slice %arg3[%dma_start3A_22, %add3A_7, %dma_start3A_26] : memref<5x1024x1024xi32, #tpu.memory_space<hbm>> -> memref<1x8x1024xi32, #tpu.memory_space<hbm>>
    %dma_start3A_28 = tpu.memref_squeeze %dma_start3A_27 : memref<1x8x1024xi32, #tpu.memory_space<hbm>> -> memref<8x1024xi32, #tpu.memory_space<hbm>>
    tpu.enqueue_dma source(%dma_start3A_28 : memref<8x1024xi32, #tpu.memory_space<hbm>>) target(%arg8 : memref<8x1024xi32, #tpu.memory_space<vmem>>) target_semaphore(%arg13 : memref<!tpu.dma_semaphore, #tpu.memory_space<semaphore_mem>>)
    %dma_start3A_29 = arith.constant 3 : i32
    %dma_start3A_30 = arith.constant 0 : i32
    %dma_start3A_31 = tpu.memref_slice %arg3[%dma_start3A_29, %add3A_7, %dma_start3A_30] : memref<5x1024x1024xi32, #tpu.memory_space<hbm>> -> memref<1x8x1024xi32, #tpu.memory_space<hbm>>
    %dma_start3A_32 = tpu.memref_squeeze %dma_start3A_31 : memref<1x8x1024xi32, #tpu.memory_space<hbm>> -> memref<8x1024xi32, #tpu.memory_space<hbm>>
    %dma_start3A_33 = arith.constant 0 : i32
    %dma_start3A_34 = tpu.memref_slice %arg3[%dma_start3A_29, %add3A_7, %dma_start3A_33] : memref<5x1024x1024xi32, #tpu.memory_space<hbm>> -> memref<1x8x1024xi32, #tpu.memory_space<hbm>>
    %dma_start3A_35 = tpu.memref_squeeze %dma_start3A_34 : memref<1x8x1024xi32, #tpu.memory_space<hbm>> -> memref<8x1024xi32, #tpu.memory_space<hbm>>
    tpu.enqueue_dma source(%dma_start3A_35 : memref<8x1024xi32, #tpu.memory_space<hbm>>) target(%arg9 : memref<8x1024xi32, #tpu.memory_space<vmem>>) target_semaphore(%arg13 : memref<!tpu.dma_semaphore, #tpu.memory_space<semaphore_mem>>)
    %dma_start3A_36 = arith.constant 4 : i32
    %dma_start3A_37 = arith.constant 0 : i32
    %dma_start3A_38 = tpu.memref_slice %arg3[%dma_start3A_36, %add3A_7, %dma_start3A_37] : memref<5x1024x1024xi32, #tpu.memory_space<hbm>> -> memref<1x8x1024xi32, #tpu.memory_space<hbm>>
    %dma_start3A_39 = tpu.memref_squeeze %dma_start3A_38 : memref<1x8x1024xi32, #tpu.memory_space<hbm>> -> memref<8x1024xi32, #tpu.memory_space<hbm>>
    %dma_start3A_40 = arith.constant 0 : i32
    %dma_start3A_41 = tpu.memref_slice %arg3[%dma_start3A_36, %add3A_7, %dma_start3A_40] : memref<5x1024x1024xi32, #tpu.memory_space<hbm>> -> memref<1x8x1024xi32, #tpu.memory_space<hbm>>
    %dma_start3A_42 = tpu.memref_squeeze %dma_start3A_41 : memref<1x8x1024xi32, #tpu.memory_space<hbm>> -> memref<8x1024xi32, #tpu.memory_space<hbm>>
    tpu.enqueue_dma source(%dma_start3A_42 : memref<8x1024xi32, #tpu.memory_space<hbm>>) target(%arg10 : memref<8x1024xi32, #tpu.memory_space<vmem>>) target_semaphore(%arg13 : memref<!tpu.dma_semaphore, #tpu.memory_space<semaphore_mem>>)
    %dma_wait3A = arith.constant 0 : i32
    %dma_wait3A_43 = tpu.memref_slice %arg2[%dma_wait3A] : memref<131072xf32, #tpu.memory_space<hbm>> -> memref<81920xf32, #tpu.memory_space<hbm>>
    %dma_wait3A_44 = arith.constant 0 : i32
    %dma_wait3A_45 = tpu.memref_slice %arg2[%dma_wait3A_44] : memref<131072xf32, #tpu.memory_space<hbm>> -> memref<81920xf32, #tpu.memory_space<hbm>>
    tpu.wait_dma2 semaphore(%arg12 : memref<!tpu.dma_semaphore, #tpu.memory_space<semaphore_mem>>) src(%dma_wait3A_45 : memref<81920xf32, #tpu.memory_space<hbm>>) dst(%arg5 : memref<81920xf32, #tpu.memory_space<vmem>>)
    %dma_wait3A_46 = arith.constant 0 : i32
    %dma_wait3A_47 = arith.constant 0 : i32
    %dma_wait3A_48 = arith.constant 0 : i32
    %dma_wait3A_49 = tpu.memref_slice %arg3[%dma_wait3A_46, %dma_wait3A_47, %dma_wait3A_48] : memref<5x1024x1024xi32, #tpu.memory_space<hbm>> -> memref<1x8x1024xi32, #tpu.memory_space<hbm>>
    %dma_wait3A_50 = tpu.memref_squeeze %dma_wait3A_49 : memref<1x8x1024xi32, #tpu.memory_space<hbm>> -> memref<8x1024xi32, #tpu.memory_space<hbm>>
    %dma_wait3A_51 = arith.constant 0 : i32
    %dma_wait3A_52 = arith.constant 0 : i32
    %dma_wait3A_53 = tpu.memref_slice %arg3[%dma_wait3A_46, %dma_wait3A_51, %dma_wait3A_52] : memref<5x1024x1024xi32, #tpu.memory_space<hbm>> -> memref<1x8x1024xi32, #tpu.memory_space<hbm>>
    %dma_wait3A_54 = tpu.memref_squeeze %dma_wait3A_53 : memref<1x8x1024xi32, #tpu.memory_space<hbm>> -> memref<8x1024xi32, #tpu.memory_space<hbm>>
    tpu.wait_dma2 semaphore(%arg13 : memref<!tpu.dma_semaphore, #tpu.memory_space<semaphore_mem>>) src(%dma_wait3A_54 : memref<8x1024xi32, #tpu.memory_space<hbm>>) dst(%arg6 : memref<8x1024xi32, #tpu.memory_space<vmem>>)
    %dma_wait3A_55 = arith.constant 0 : i32
    %dma_wait3A_56 = arith.constant 0 : i32
    %dma_wait3A_57 = arith.constant 0 : i32
    %dma_wait3A_58 = tpu.memref_slice %arg3[%dma_wait3A_55, %dma_wait3A_56, %dma_wait3A_57] : memref<5x1024x1024xi32, #tpu.memory_space<hbm>> -> memref<1x8x1024xi32, #tpu.memory_space<hbm>>
    %dma_wait3A_59 = tpu.memref_squeeze %dma_wait3A_58 : memref<1x8x1024xi32, #tpu.memory_space<hbm>> -> memref<8x1024xi32, #tpu.memory_space<hbm>>
    %dma_wait3A_60 = arith.constant 0 : i32
    %dma_wait3A_61 = arith.constant 0 : i32
    %dma_wait3A_62 = tpu.memref_slice %arg3[%dma_wait3A_55, %dma_wait3A_60, %dma_wait3A_61] : memref<5x1024x1024xi32, #tpu.memory_space<hbm>> -> memref<1x8x1024xi32, #tpu.memory_space<hbm>>
    %dma_wait3A_63 = tpu.memref_squeeze %dma_wait3A_62 : memref<1x8x1024xi32, #tpu.memory_space<hbm>> -> memref<8x1024xi32, #tpu.memory_space<hbm>>
    tpu.wait_dma2 semaphore(%arg13 : memref<!tpu.dma_semaphore, #tpu.memory_space<semaphore_mem>>) src(%dma_wait3A_63 : memref<8x1024xi32, #tpu.memory_space<hbm>>) dst(%arg7 : memref<8x1024xi32, #tpu.memory_space<vmem>>)
    %dma_wait3A_64 = arith.constant 0 : i32
    %dma_wait3A_65 = arith.constant 0 : i32
    %dma_wait3A_66 = arith.constant 0 : i32
    %dma_wait3A_67 = tpu.memref_slice %arg3[%dma_wait3A_64, %dma_wait3A_65, %dma_wait3A_66] : memref<5x1024x1024xi32, #tpu.memory_space<hbm>> -> memref<1x8x1024xi32, #tpu.memory_space<hbm>>
    %dma_wait3A_68 = tpu.memref_squeeze %dma_wait3A_67 : memref<1x8x1024xi32, #tpu.memory_space<hbm>> -> memref<8x1024xi32, #tpu.memory_space<hbm>>
    %dma_wait3A_69 = arith.constant 0 : i32
    %dma_wait3A_70 = arith.constant 0 : i32
    %dma_wait3A_71 = tpu.memref_slice %arg3[%dma_wait3A_64, %dma_wait3A_69, %dma_wait3A_70] : memref<5x1024x1024xi32, #tpu.memory_space<hbm>> -> memref<1x8x1024xi32, #tpu.memory_space<hbm>>
    %dma_wait3A_72 = tpu.memref_squeeze %dma_wait3A_71 : memref<1x8x1024xi32, #tpu.memory_space<hbm>> -> memref<8x1024xi32, #tpu.memory_space<hbm>>
    tpu.wait_dma2 semaphore(%arg13 : memref<!tpu.dma_semaphore, #tpu.memory_space<semaphore_mem>>) src(%dma_wait3A_72 : memref<8x1024xi32, #tpu.memory_space<hbm>>) dst(%arg8 : memref<8x1024xi32, #tpu.memory_space<vmem>>)
    %dma_wait3A_73 = arith.constant 0 : i32
    %dma_wait3A_74 = arith.constant 0 : i32
    %dma_wait3A_75 = arith.constant 0 : i32
    %dma_wait3A_76 = tpu.memref_slice %arg3[%dma_wait3A_73, %dma_wait3A_74, %dma_wait3A_75] : memref<5x1024x1024xi32, #tpu.memory_space<hbm>> -> memref<1x8x1024xi32, #tpu.memory_space<hbm>>
    %dma_wait3A_77 = tpu.memref_squeeze %dma_wait3A_76 : memref<1x8x1024xi32, #tpu.memory_space<hbm>> -> memref<8x1024xi32, #tpu.memory_space<hbm>>
    %dma_wait3A_78 = arith.constant 0 : i32
    %dma_wait3A_79 = arith.constant 0 : i32
    %dma_wait3A_80 = tpu.memref_slice %arg3[%dma_wait3A_73, %dma_wait3A_78, %dma_wait3A_79] : memref<5x1024x1024xi32, #tpu.memory_space<hbm>> -> memref<1x8x1024xi32, #tpu.memory_space<hbm>>
    %dma_wait3A_81 = tpu.memref_squeeze %dma_wait3A_80 : memref<1x8x1024xi32, #tpu.memory_space<hbm>> -> memref<8x1024xi32, #tpu.memory_space<hbm>>
    tpu.wait_dma2 semaphore(%arg13 : memref<!tpu.dma_semaphore, #tpu.memory_space<semaphore_mem>>) src(%dma_wait3A_81 : memref<8x1024xi32, #tpu.memory_space<hbm>>) dst(%arg9 : memref<8x1024xi32, #tpu.memory_space<vmem>>)
    %dma_wait3A_82 = arith.constant 0 : i32
    %dma_wait3A_83 = arith.constant 0 : i32
    %dma_wait3A_84 = arith.constant 0 : i32
    %dma_wait3A_85 = tpu.memref_slice %arg3[%dma_wait3A_82, %dma_wait3A_83, %dma_wait3A_84] : memref<5x1024x1024xi32, #tpu.memory_space<hbm>> -> memref<1x8x1024xi32, #tpu.memory_space<hbm>>
    %dma_wait3A_86 = tpu.memref_squeeze %dma_wait3A_85 : memref<1x8x1024xi32, #tpu.memory_space<hbm>> -> memref<8x1024xi32, #tpu.memory_space<hbm>>
    %dma_wait3A_87 = arith.constant 0 : i32
    %dma_wait3A_88 = arith.constant 0 : i32
    %dma_wait3A_89 = tpu.memref_slice %arg3[%dma_wait3A_82, %dma_wait3A_87, %dma_wait3A_88] : memref<5x1024x1024xi32, #tpu.memory_space<hbm>> -> memref<1x8x1024xi32, #tpu.memory_space<hbm>>
    %dma_wait3A_90 = tpu.memref_squeeze %dma_wait3A_89 : memref<1x8x1024xi32, #tpu.memory_space<hbm>> -> memref<8x1024xi32, #tpu.memory_space<hbm>>
    tpu.wait_dma2 semaphore(%arg13 : memref<!tpu.dma_semaphore, #tpu.memory_space<semaphore_mem>>) src(%dma_wait3A_90 : memref<8x1024xi32, #tpu.memory_space<hbm>>) dst(%arg10 : memref<8x1024xi32, #tpu.memory_space<vmem>>)
    %parallel_loop3A = arith.constant 0 : i32
    %parallel_loop3A_91 = arith.constant 512 : i32
    %parallel_loop3A_92 = arith.constant 1 : i32
    scf.for %parallel_loop3A_396 = %parallel_loop3A to %parallel_loop3A_91 step %parallel_loop3A_92  : i32 {
      %parallel_loop3A_397 = arith.constant 16 : i32
      %parallel_loop3A_398 = arith.muli %parallel_loop3A_396, %parallel_loop3A_397 : i32
      %parallel_loop3A_399 = arith.constant 10 : i32
      %parallel_loop3A_400 = arith.shrsi %parallel_loop3A_398, %parallel_loop3A_399 : i32
      %parallel_loop3A_401 = arith.constant 1023 : i32
      %parallel_loop3A_402 = arith.andi %parallel_loop3A_398, %parallel_loop3A_401 : i32
      %parallel_loop3A_403 = arith.constant 0.000000e+00 : f32
      %parallel_loop3A_404 = vector.broadcast %parallel_loop3A_403 : f32 to vector<16xf32>
      %parallel_loop3A_405 = arith.index_cast %parallel_loop3A_400 : i32 to index
      %parallel_loop3A_406 = arith.index_cast %parallel_loop3A_402 : i32 to index
      %parallel_loop3A_407 = tpu.vector_load %arg6[%parallel_loop3A_405, %parallel_loop3A_406] {strides = array<i32>} : memref<8x1024xi32, #tpu.memory_space<vmem>>, vector<16xi32>,
      %parallel_loop3A_408 = arith.constant 0 : i32
      %parallel_loop3A_409 = tpu.memref_slice %arg5[%parallel_loop3A_408] : memref<81920xf32, #tpu.memory_space<vmem>> -> memref<16384xf32, #tpu.memory_space<vmem>>
      %parallel_loop3A_410 = tpu.vector_load_idx %parallel_loop3A_409[%parallel_loop3A_407] : memref<16384xf32, #tpu.memory_space<vmem>>[vector<16xi32>], vector<16xf32>,
      %parallel_loop3A_411 = arith.addf %parallel_loop3A_404, %parallel_loop3A_410 : vector<16xf32>
      %parallel_loop3A_412 = arith.index_cast %parallel_loop3A_400 : i32 to index
      %parallel_loop3A_413 = arith.index_cast %parallel_loop3A_402 : i32 to index
      %parallel_loop3A_414 = tpu.vector_load %arg7[%parallel_loop3A_412, %parallel_loop3A_413] {strides = array<i32>} : memref<8x1024xi32, #tpu.memory_space<vmem>>, vector<16xi32>,
      %parallel_loop3A_415 = arith.constant 16384 : i32
      %parallel_loop3A_416 = tpu.memref_slice %arg5[%parallel_loop3A_415] : memref<81920xf32, #tpu.memory_space<vmem>> -> memref<16384xf32, #tpu.memory_space<vmem>>
      %parallel_loop3A_417 = tpu.vector_load_idx %parallel_loop3A_416[%parallel_loop3A_414] : memref<16384xf32, #tpu.memory_space<vmem>>[vector<16xi32>], vector<16xf32>,
      %parallel_loop3A_418 = arith.addf %parallel_loop3A_411, %parallel_loop3A_417 : vector<16xf32>
      %parallel_loop3A_419 = arith.index_cast %parallel_loop3A_400 : i32 to index
      %parallel_loop3A_420 = arith.index_cast %parallel_loop3A_402 : i32 to index
      %parallel_loop3A_421 = tpu.vector_load %arg8[%parallel_loop3A_419, %parallel_loop3A_420] {strides = array<i32>} : memref<8x1024xi32, #tpu.memory_space<vmem>>, vector<16xi32>,
      %parallel_loop3A_422 = arith.constant 32768 : i32
      %parallel_loop3A_423 = tpu.memref_slice %arg5[%parallel_loop3A_422] : memref<81920xf32, #tpu.memory_space<vmem>> -> memref<16384xf32, #tpu.memory_space<vmem>>
      %parallel_loop3A_424 = tpu.vector_load_idx %parallel_loop3A_423[%parallel_loop3A_421] : memref<16384xf32, #tpu.memory_space<vmem>>[vector<16xi32>], vector<16xf32>,
      %parallel_loop3A_425 = arith.addf %parallel_loop3A_418, %parallel_loop3A_424 : vector<16xf32>
      %parallel_loop3A_426 = arith.index_cast %parallel_loop3A_400 : i32 to index
      %parallel_loop3A_427 = arith.index_cast %parallel_loop3A_402 : i32 to index
      %parallel_loop3A_428 = tpu.vector_load %arg9[%parallel_loop3A_426, %parallel_loop3A_427] {strides = array<i32>} : memref<8x1024xi32, #tpu.memory_space<vmem>>, vector<16xi32>,
      %parallel_loop3A_429 = arith.constant 49152 : i32
      %parallel_loop3A_430 = tpu.memref_slice %arg5[%parallel_loop3A_429] : memref<81920xf32, #tpu.memory_space<vmem>> -> memref<16384xf32, #tpu.memory_space<vmem>>
      %parallel_loop3A_431 = tpu.vector_load_idx %parallel_loop3A_430[%parallel_loop3A_428] : memref<16384xf32, #tpu.memory_space<vmem>>[vector<16xi32>], vector<16xf32>,
      %parallel_loop3A_432 = arith.addf %parallel_loop3A_425, %parallel_loop3A_431 : vector<16xf32>
      %parallel_loop3A_433 = arith.index_cast %parallel_loop3A_400 : i32 to index
      %parallel_loop3A_434 = arith.index_cast %parallel_loop3A_402 : i32 to index
      %parallel_loop3A_435 = tpu.vector_load %arg10[%parallel_loop3A_433, %parallel_loop3A_434] {strides = array<i32>} : memref<8x1024xi32, #tpu.memory_space<vmem>>, vector<16xi32>,
      %parallel_loop3A_436 = arith.constant 65536 : i32
      %parallel_loop3A_437 = tpu.memref_slice %arg5[%parallel_loop3A_436] : memref<81920xf32, #tpu.memory_space<vmem>> -> memref<16384xf32, #tpu.memory_space<vmem>>
      %parallel_loop3A_438 = tpu.vector_load_idx %parallel_loop3A_437[%parallel_loop3A_435] : memref<16384xf32, #tpu.memory_space<vmem>>[vector<16xi32>], vector<16xf32>,
      %parallel_loop3A_439 = arith.addf %parallel_loop3A_432, %parallel_loop3A_438 : vector<16xf32>
      %parallel_loop3A_440 = arith.index_cast %parallel_loop3A_400 : i32 to index
      %parallel_loop3A_441 = arith.index_cast %parallel_loop3A_402 : i32 to index
      %parallel_loop3A_442 = tpu.vector_load %arg11[%parallel_loop3A_440, %parallel_loop3A_441] {strides = array<i32>} : memref<8x1024xf32, #tpu.memory_space<vmem>>, vector<16xf32>,
      tpu.vector_store %arg11[%parallel_loop3A_440, %parallel_loop3A_441], %parallel_loop3A_439 {strides = array<i32>} : memref<8x1024xf32, #tpu.memory_space<vmem>>, vector<16xf32>,
    } {sc.loop_unroll_factor = 8 : i64, sc.parallel_access}
    %add3A_93 = arith.constant 0 : i32
    %add3A_94 = arith.addi %mul3A_2, %add3A_93 : i32
    %dma_start3A_95 = arith.constant 0 : i32
    %dma_start3A_96 = tpu.memref_slice %arg4[%add3A_94, %dma_start3A_95] : memref<1024x1024xf32, #tpu.memory_space<hbm>> -> memref<8x1024xf32, #tpu.memory_space<hbm>>
    %dma_start3A_97 = arith.constant 0 : i32
    %dma_start3A_98 = tpu.memref_slice %arg4[%add3A_94, %dma_start3A_97] : memref<1024x1024xf32, #tpu.memory_space<hbm>> -> memref<8x1024xf32, #tpu.memory_space<hbm>>
    tpu.enqueue_dma source(%arg11 : memref<8x1024xf32, #tpu.memory_space<vmem>>) target(%dma_start3A_98 : memref<8x1024xf32, #tpu.memory_space<hbm>>) target_semaphore(%arg14 : memref<!tpu.dma_semaphore, #tpu.memory_space<semaphore_mem>>)
    %add3A_99 = arith.constant 8 : i32
    %add3A_100 = arith.addi %mul3A_2, %add3A_99 : i32
    %dma_start3A_101 = arith.constant 0 : i32
    %dma_start3A_102 = arith.constant 0 : i32
    %dma_start3A_103 = tpu.memref_slice %arg3[%dma_start3A_101, %add3A_100, %dma_start3A_102] : memref<5x1024x1024xi32, #tpu.memory_space<hbm>> -> memref<1x8x1024xi32, #tpu.memory_space<hbm>>
    %dma_start3A_104 = tpu.memref_squeeze %dma_start3A_103 : memref<1x8x1024xi32, #tpu.memory_space<hbm>> -> memref<8x1024xi32, #tpu.memory_space<hbm>>
    %dma_start3A_105 = arith.constant 0 : i32
    %dma_start3A_106 = tpu.memref_slice %arg3[%dma_start3A_101, %add3A_100, %dma_start3A_105] : memref<5x1024x1024xi32, #tpu.memory_space<hbm>> -> memref<1x8x1024xi32, #tpu.memory_space<hbm>>
    %dma_start3A_107 = tpu.memref_squeeze %dma_start3A_106 : memref<1x8x1024xi32, #tpu.memory_space<hbm>> -> memref<8x1024xi32, #tpu.memory_space<hbm>>
    tpu.enqueue_dma source(%dma_start3A_107 : memref<8x1024xi32, #tpu.memory_space<hbm>>) target(%arg6 : memref<8x1024xi32, #tpu.memory_space<vmem>>) target_semaphore(%arg13 : memref<!tpu.dma_semaphore, #tpu.memory_space<semaphore_mem>>)
    %dma_start3A_108 = arith.constant 1 : i32
    %dma_start3A_109 = arith.constant 0 : i32
    %dma_start3A_110 = tpu.memref_slice %arg3[%dma_start3A_108, %add3A_100, %dma_start3A_109] : memref<5x1024x1024xi32, #tpu.memory_space<hbm>> -> memref<1x8x1024xi32, #tpu.memory_space<hbm>>
    %dma_start3A_111 = tpu.memref_squeeze %dma_start3A_110 : memref<1x8x1024xi32, #tpu.memory_space<hbm>> -> memref<8x1024xi32, #tpu.memory_space<hbm>>
    %dma_start3A_112 = arith.constant 0 : i32
    %dma_start3A_113 = tpu.memref_slice %arg3[%dma_start3A_108, %add3A_100, %dma_start3A_112] : memref<5x1024x1024xi32, #tpu.memory_space<hbm>> -> memref<1x8x1024xi32, #tpu.memory_space<hbm>>
    %dma_start3A_114 = tpu.memref_squeeze %dma_start3A_113 : memref<1x8x1024xi32, #tpu.memory_space<hbm>> -> memref<8x1024xi32, #tpu.memory_space<hbm>>
    tpu.enqueue_dma source(%dma_start3A_114 : memref<8x1024xi32, #tpu.memory_space<hbm>>) target(%arg7 : memref<8x1024xi32, #tpu.memory_space<vmem>>) target_semaphore(%arg13 : memref<!tpu.dma_semaphore, #tpu.memory_space<semaphore_mem>>)
    %dma_start3A_115 = arith.constant 2 : i32
    %dma_start3A_116 = arith.constant 0 : i32
    %dma_start3A_117 = tpu.memref_slice %arg3[%dma_start3A_115, %add3A_100, %dma_start3A_116] : memref<5x1024x1024xi32, #tpu.memory_space<hbm>> -> memref<1x8x1024xi32, #tpu.memory_space<hbm>>
    %dma_start3A_118 = tpu.memref_squeeze %dma_start3A_117 : memref<1x8x1024xi32, #tpu.memory_space<hbm>> -> memref<8x1024xi32, #tpu.memory_space<hbm>>
    %dma_start3A_119 = arith.constant 0 : i32
    %dma_start3A_120 = tpu.memref_slice %arg3[%dma_start3A_115, %add3A_100, %dma_start3A_119] : memref<5x1024x1024xi32, #tpu.memory_space<hbm>> -> memref<1x8x1024xi32, #tpu.memory_space<hbm>>
    %dma_start3A_121 = tpu.memref_squeeze %dma_start3A_120 : memref<1x8x1024xi32, #tpu.memory_space<hbm>> -> memref<8x1024xi32, #tpu.memory_space<hbm>>
    tpu.enqueue_dma source(%dma_start3A_121 : memref<8x1024xi32, #tpu.memory_space<hbm>>) target(%arg8 : memref<8x1024xi32, #tpu.memory_space<vmem>>) target_semaphore(%arg13 : memref<!tpu.dma_semaphore, #tpu.memory_space<semaphore_mem>>)
    %dma_start3A_122 = arith.constant 3 : i32
    %dma_start3A_123 = arith.constant 0 : i32
    %dma_start3A_124 = tpu.memref_slice %arg3[%dma_start3A_122, %add3A_100, %dma_start3A_123] : memref<5x1024x1024xi32, #tpu.memory_space<hbm>> -> memref<1x8x1024xi32, #tpu.memory_space<hbm>>
    %dma_start3A_125 = tpu.memref_squeeze %dma_start3A_124 : memref<1x8x1024xi32, #tpu.memory_space<hbm>> -> memref<8x1024xi32, #tpu.memory_space<hbm>>
    %dma_start3A_126 = arith.constant 0 : i32
    %dma_start3A_127 = tpu.memref_slice %arg3[%dma_start3A_122, %add3A_100, %dma_start3A_126] : memref<5x1024x1024xi32, #tpu.memory_space<hbm>> -> memref<1x8x1024xi32, #tpu.memory_space<hbm>>
    %dma_start3A_128 = tpu.memref_squeeze %dma_start3A_127 : memref<1x8x1024xi32, #tpu.memory_space<hbm>> -> memref<8x1024xi32, #tpu.memory_space<hbm>>
    tpu.enqueue_dma source(%dma_start3A_128 : memref<8x1024xi32, #tpu.memory_space<hbm>>) target(%arg9 : memref<8x1024xi32, #tpu.memory_space<vmem>>) target_semaphore(%arg13 : memref<!tpu.dma_semaphore, #tpu.memory_space<semaphore_mem>>)
    %dma_start3A_129 = arith.constant 4 : i32
    %dma_start3A_130 = arith.constant 0 : i32
    %dma_start3A_131 = tpu.memref_slice %arg3[%dma_start3A_129, %add3A_100, %dma_start3A_130] : memref<5x1024x1024xi32, #tpu.memory_space<hbm>> -> memref<1x8x1024xi32, #tpu.memory_space<hbm>>
    %dma_start3A_132 = tpu.memref_squeeze %dma_start3A_131 : memref<1x8x1024xi32, #tpu.memory_space<hbm>> -> memref<8x1024xi32, #tpu.memory_space<hbm>>
    %dma_start3A_133 = arith.constant 0 : i32
    %dma_start3A_134 = tpu.memref_slice %arg3[%dma_start3A_129, %add3A_100, %dma_start3A_133] : memref<5x1024x1024xi32, #tpu.memory_space<hbm>> -> memref<1x8x1024xi32, #tpu.memory_space<hbm>>
    %dma_start3A_135 = tpu.memref_squeeze %dma_start3A_134 : memref<1x8x1024xi32, #tpu.memory_space<hbm>> -> memref<8x1024xi32, #tpu.memory_space<hbm>>
    tpu.enqueue_dma source(%dma_start3A_135 : memref<8x1024xi32, #tpu.memory_space<hbm>>) target(%arg10 : memref<8x1024xi32, #tpu.memory_space<vmem>>) target_semaphore(%arg13 : memref<!tpu.dma_semaphore, #tpu.memory_space<semaphore_mem>>)
    %dma_wait3A_136 = arith.constant 0 : i32
    %dma_wait3A_137 = arith.constant 0 : i32
    %dma_wait3A_138 = arith.constant 0 : i32
    %dma_wait3A_139 = tpu.memref_slice %arg3[%dma_wait3A_136, %dma_wait3A_137, %dma_wait3A_138] : memref<5x1024x1024xi32, #tpu.memory_space<hbm>> -> memref<1x8x1024xi32, #tpu.memory_space<hbm>>
    %dma_wait3A_140 = tpu.memref_squeeze %dma_wait3A_139 : memref<1x8x1024xi32, #tpu.memory_space<hbm>> -> memref<8x1024xi32, #tpu.memory_space<hbm>>
    %dma_wait3A_141 = arith.constant 0 : i32
    %dma_wait3A_142 = arith.constant 0 : i32
    %dma_wait3A_143 = tpu.memref_slice %arg3[%dma_wait3A_136, %dma_wait3A_141, %dma_wait3A_142] : memref<5x1024x1024xi32, #tpu.memory_space<hbm>> -> memref<1x8x1024xi32, #tpu.memory_space<hbm>>
    %dma_wait3A_144 = tpu.memref_squeeze %dma_wait3A_143 : memref<1x8x1024xi32, #tpu.memory_space<hbm>> -> memref<8x1024xi32, #tpu.memory_space<hbm>>
    tpu.wait_dma2 semaphore(%arg13 : memref<!tpu.dma_semaphore, #tpu.memory_space<semaphore_mem>>) src(%dma_wait3A_144 : memref<8x1024xi32, #tpu.memory_space<hbm>>) dst(%arg6 : memref<8x1024xi32, #tpu.memory_space<vmem>>)
    %dma_wait3A_145 = arith.constant 0 : i32
    %dma_wait3A_146 = arith.constant 0 : i32
    %dma_wait3A_147 = arith.constant 0 : i32
    %dma_wait3A_148 = tpu.memref_slice %arg3[%dma_wait3A_145, %dma_wait3A_146, %dma_wait3A_147] : memref<5x1024x1024xi32, #tpu.memory_space<hbm>> -> memref<1x8x1024xi32, #tpu.memory_space<hbm>>
    %dma_wait3A_149 = tpu.memref_squeeze %dma_wait3A_148 : memref<1x8x1024xi32, #tpu.memory_space<hbm>> -> memref<8x1024xi32, #tpu.memory_space<hbm>>
    %dma_wait3A_150 = arith.constant 0 : i32
    %dma_wait3A_151 = arith.constant 0 : i32
    %dma_wait3A_152 = tpu.memref_slice %arg3[%dma_wait3A_145, %dma_wait3A_150, %dma_wait3A_151] : memref<5x1024x1024xi32, #tpu.memory_space<hbm>> -> memref<1x8x1024xi32, #tpu.memory_space<hbm>>
    %dma_wait3A_153 = tpu.memref_squeeze %dma_wait3A_152 : memref<1x8x1024xi32, #tpu.memory_space<hbm>> -> memref<8x1024xi32, #tpu.memory_space<hbm>>
    tpu.wait_dma2 semaphore(%arg13 : memref<!tpu.dma_semaphore, #tpu.memory_space<semaphore_mem>>) src(%dma_wait3A_153 : memref<8x1024xi32, #tpu.memory_space<hbm>>) dst(%arg7 : memref<8x1024xi32, #tpu.memory_space<vmem>>)
    %dma_wait3A_154 = arith.constant 0 : i32
    %dma_wait3A_155 = arith.constant 0 : i32
    %dma_wait3A_156 = arith.constant 0 : i32
    %dma_wait3A_157 = tpu.memref_slice %arg3[%dma_wait3A_154, %dma_wait3A_155, %dma_wait3A_156] : memref<5x1024x1024xi32, #tpu.memory_space<hbm>> -> memref<1x8x1024xi32, #tpu.memory_space<hbm>>
    %dma_wait3A_158 = tpu.memref_squeeze %dma_wait3A_157 : memref<1x8x1024xi32, #tpu.memory_space<hbm>> -> memref<8x1024xi32, #tpu.memory_space<hbm>>
    %dma_wait3A_159 = arith.constant 0 : i32
    %dma_wait3A_160 = arith.constant 0 : i32
    %dma_wait3A_161 = tpu.memref_slice %arg3[%dma_wait3A_154, %dma_wait3A_159, %dma_wait3A_160] : memref<5x1024x1024xi32, #tpu.memory_space<hbm>> -> memref<1x8x1024xi32, #tpu.memory_space<hbm>>
    %dma_wait3A_162 = tpu.memref_squeeze %dma_wait3A_161 : memref<1x8x1024xi32, #tpu.memory_space<hbm>> -> memref<8x1024xi32, #tpu.memory_space<hbm>>
    tpu.wait_dma2 semaphore(%arg13 : memref<!tpu.dma_semaphore, #tpu.memory_space<semaphore_mem>>) src(%dma_wait3A_162 : memref<8x1024xi32, #tpu.memory_space<hbm>>) dst(%arg8 : memref<8x1024xi32, #tpu.memory_space<vmem>>)
    %dma_wait3A_163 = arith.constant 0 : i32
    %dma_wait3A_164 = arith.constant 0 : i32
    %dma_wait3A_165 = arith.constant 0 : i32
    %dma_wait3A_166 = tpu.memref_slice %arg3[%dma_wait3A_163, %dma_wait3A_164, %dma_wait3A_165] : memref<5x1024x1024xi32, #tpu.memory_space<hbm>> -> memref<1x8x1024xi32, #tpu.memory_space<hbm>>
    %dma_wait3A_167 = tpu.memref_squeeze %dma_wait3A_166 : memref<1x8x1024xi32, #tpu.memory_space<hbm>> -> memref<8x1024xi32, #tpu.memory_space<hbm>>
    %dma_wait3A_168 = arith.constant 0 : i32
    %dma_wait3A_169 = arith.constant 0 : i32
    %dma_wait3A_170 = tpu.memref_slice %arg3[%dma_wait3A_163, %dma_wait3A_168, %dma_wait3A_169] : memref<5x1024x1024xi32, #tpu.memory_space<hbm>> -> memref<1x8x1024xi32, #tpu.memory_space<hbm>>
    %dma_wait3A_171 = tpu.memref_squeeze %dma_wait3A_170 : memref<1x8x1024xi32, #tpu.memory_space<hbm>> -> memref<8x1024xi32, #tpu.memory_space<hbm>>
    tpu.wait_dma2 semaphore(%arg13 : memref<!tpu.dma_semaphore, #tpu.memory_space<semaphore_mem>>) src(%dma_wait3A_171 : memref<8x1024xi32, #tpu.memory_space<hbm>>) dst(%arg9 : memref<8x1024xi32, #tpu.memory_space<vmem>>)
    %dma_wait3A_172 = arith.constant 0 : i32
    %dma_wait3A_173 = arith.constant 0 : i32
    %dma_wait3A_174 = arith.constant 0 : i32
    %dma_wait3A_175 = tpu.memref_slice %arg3[%dma_wait3A_172, %dma_wait3A_173, %dma_wait3A_174] : memref<5x1024x1024xi32, #tpu.memory_space<hbm>> -> memref<1x8x1024xi32, #tpu.memory_space<hbm>>
    %dma_wait3A_176 = tpu.memref_squeeze %dma_wait3A_175 : memref<1x8x1024xi32, #tpu.memory_space<hbm>> -> memref<8x1024xi32, #tpu.memory_space<hbm>>
    %dma_wait3A_177 = arith.constant 0 : i32
    %dma_wait3A_178 = arith.constant 0 : i32
    %dma_wait3A_179 = tpu.memref_slice %arg3[%dma_wait3A_172, %dma_wait3A_177, %dma_wait3A_178] : memref<5x1024x1024xi32, #tpu.memory_space<hbm>> -> memref<1x8x1024xi32, #tpu.memory_space<hbm>>
    %dma_wait3A_180 = tpu.memref_squeeze %dma_wait3A_179 : memref<1x8x1024xi32, #tpu.memory_space<hbm>> -> memref<8x1024xi32, #tpu.memory_space<hbm>>
    tpu.wait_dma2 semaphore(%arg13 : memref<!tpu.dma_semaphore, #tpu.memory_space<semaphore_mem>>) src(%dma_wait3A_180 : memref<8x1024xi32, #tpu.memory_space<hbm>>) dst(%arg10 : memref<8x1024xi32, #tpu.memory_space<vmem>>)
    %add3A_181 = arith.constant 0 : i32
    %add3A_182 = arith.addi %mul3A_2, %add3A_181 : i32
    %dma_wait3A_183 = arith.constant 0 : i32
    %dma_wait3A_184 = tpu.memref_slice %arg4[%add3A_182, %dma_wait3A_183] : memref<1024x1024xf32, #tpu.memory_space<hbm>> -> memref<8x1024xf32, #tpu.memory_space<hbm>>
    %dma_wait3A_185 = arith.constant 0 : i32
    %dma_wait3A_186 = tpu.memref_slice %arg4[%add3A_182, %dma_wait3A_185] : memref<1024x1024xf32, #tpu.memory_space<hbm>> -> memref<8x1024xf32, #tpu.memory_space<hbm>>
    tpu.wait_dma2 semaphore(%arg14 : memref<!tpu.dma_semaphore, #tpu.memory_space<semaphore_mem>>) src(%dma_wait3A_186 : memref<8x1024xf32, #tpu.memory_space<hbm>>) dst(%arg11 : memref<8x1024xf32, #tpu.memory_space<vmem>>)
    %parallel_loop3A_187 = arith.constant 0 : i32
    %parallel_loop3A_188 = arith.constant 512 : i32
    %parallel_loop3A_189 = arith.constant 1 : i32
    scf.for %parallel_loop3A_396 = %parallel_loop3A_187 to %parallel_loop3A_188 step %parallel_loop3A_189  : i32 {
      %parallel_loop3A_397 = arith.constant 16 : i32
      %parallel_loop3A_398 = arith.muli %parallel_loop3A_396, %parallel_loop3A_397 : i32
      %parallel_loop3A_399 = arith.constant 10 : i32
      %parallel_loop3A_400 = arith.shrsi %parallel_loop3A_398, %parallel_loop3A_399 : i32
      %parallel_loop3A_401 = arith.constant 1023 : i32
      %parallel_loop3A_402 = arith.andi %parallel_loop3A_398, %parallel_loop3A_401 : i32
      %parallel_loop3A_403 = arith.constant 0.000000e+00 : f32
      %parallel_loop3A_404 = vector.broadcast %parallel_loop3A_403 : f32 to vector<16xf32>
      %parallel_loop3A_405 = arith.index_cast %parallel_loop3A_400 : i32 to index
      %parallel_loop3A_406 = arith.index_cast %parallel_loop3A_402 : i32 to index
      %parallel_loop3A_407 = tpu.vector_load %arg6[%parallel_loop3A_405, %parallel_loop3A_406] {strides = array<i32>} : memref<8x1024xi32, #tpu.memory_space<vmem>>, vector<16xi32>,
      %parallel_loop3A_408 = arith.constant 0 : i32
      %parallel_loop3A_409 = tpu.memref_slice %arg5[%parallel_loop3A_408] : memref<81920xf32, #tpu.memory_space<vmem>> -> memref<16384xf32, #tpu.memory_space<vmem>>
      %parallel_loop3A_410 = tpu.vector_load_idx %parallel_loop3A_409[%parallel_loop3A_407] : memref<16384xf32, #tpu.memory_space<vmem>>[vector<16xi32>], vector<16xf32>,
      %parallel_loop3A_411 = arith.addf %parallel_loop3A_404, %parallel_loop3A_410 : vector<16xf32>
      %parallel_loop3A_412 = arith.index_cast %parallel_loop3A_400 : i32 to index
      %parallel_loop3A_413 = arith.index_cast %parallel_loop3A_402 : i32 to index
      %parallel_loop3A_414 = tpu.vector_load %arg7[%parallel_loop3A_412, %parallel_loop3A_413] {strides = array<i32>} : memref<8x1024xi32, #tpu.memory_space<vmem>>, vector<16xi32>,
      %parallel_loop3A_415 = arith.constant 16384 : i32
      %parallel_loop3A_416 = tpu.memref_slice %arg5[%parallel_loop3A_415] : memref<81920xf32, #tpu.memory_space<vmem>> -> memref<16384xf32, #tpu.memory_space<vmem>>
      %parallel_loop3A_417 = tpu.vector_load_idx %parallel_loop3A_416[%parallel_loop3A_414] : memref<16384xf32, #tpu.memory_space<vmem>>[vector<16xi32>], vector<16xf32>,
      %parallel_loop3A_418 = arith.addf %parallel_loop3A_411, %parallel_loop3A_417 : vector<16xf32>
      %parallel_loop3A_419 = arith.index_cast %parallel_loop3A_400 : i32 to index
      %parallel_loop3A_420 = arith.index_cast %parallel_loop3A_402 : i32 to index
      %parallel_loop3A_421 = tpu.vector_load %arg8[%parallel_loop3A_419, %parallel_loop3A_420] {strides = array<i32>} : memref<8x1024xi32, #tpu.memory_space<vmem>>, vector<16xi32>,
      %parallel_loop3A_422 = arith.constant 32768 : i32
      %parallel_loop3A_423 = tpu.memref_slice %arg5[%parallel_loop3A_422] : memref<81920xf32, #tpu.memory_space<vmem>> -> memref<16384xf32, #tpu.memory_space<vmem>>
      %parallel_loop3A_424 = tpu.vector_load_idx %parallel_loop3A_423[%parallel_loop3A_421] : memref<16384xf32, #tpu.memory_space<vmem>>[vector<16xi32>], vector<16xf32>,
      %parallel_loop3A_425 = arith.addf %parallel_loop3A_418, %parallel_loop3A_424 : vector<16xf32>
      %parallel_loop3A_426 = arith.index_cast %parallel_loop3A_400 : i32 to index
      %parallel_loop3A_427 = arith.index_cast %parallel_loop3A_402 : i32 to index
      %parallel_loop3A_428 = tpu.vector_load %arg9[%parallel_loop3A_426, %parallel_loop3A_427] {strides = array<i32>} : memref<8x1024xi32, #tpu.memory_space<vmem>>, vector<16xi32>,
      %parallel_loop3A_429 = arith.constant 49152 : i32
      %parallel_loop3A_430 = tpu.memref_slice %arg5[%parallel_loop3A_429] : memref<81920xf32, #tpu.memory_space<vmem>> -> memref<16384xf32, #tpu.memory_space<vmem>>
      %parallel_loop3A_431 = tpu.vector_load_idx %parallel_loop3A_430[%parallel_loop3A_428] : memref<16384xf32, #tpu.memory_space<vmem>>[vector<16xi32>], vector<16xf32>,
      %parallel_loop3A_432 = arith.addf %parallel_loop3A_425, %parallel_loop3A_431 : vector<16xf32>
      %parallel_loop3A_433 = arith.index_cast %parallel_loop3A_400 : i32 to index
      %parallel_loop3A_434 = arith.index_cast %parallel_loop3A_402 : i32 to index
      %parallel_loop3A_435 = tpu.vector_load %arg10[%parallel_loop3A_433, %parallel_loop3A_434] {strides = array<i32>} : memref<8x1024xi32, #tpu.memory_space<vmem>>, vector<16xi32>,
      %parallel_loop3A_436 = arith.constant 65536 : i32
      %parallel_loop3A_437 = tpu.memref_slice %arg5[%parallel_loop3A_436] : memref<81920xf32, #tpu.memory_space<vmem>> -> memref<16384xf32, #tpu.memory_space<vmem>>
      %parallel_loop3A_438 = tpu.vector_load_idx %parallel_loop3A_437[%parallel_loop3A_435] : memref<16384xf32, #tpu.memory_space<vmem>>[vector<16xi32>], vector<16xf32>,
      %parallel_loop3A_439 = arith.addf %parallel_loop3A_432, %parallel_loop3A_438 : vector<16xf32>
      %parallel_loop3A_440 = arith.index_cast %parallel_loop3A_400 : i32 to index
      %parallel_loop3A_441 = arith.index_cast %parallel_loop3A_402 : i32 to index
      %parallel_loop3A_442 = tpu.vector_load %arg11[%parallel_loop3A_440, %parallel_loop3A_441] {strides = array<i32>} : memref<8x1024xf32, #tpu.memory_space<vmem>>, vector<16xf32>,
      tpu.vector_store %arg11[%parallel_loop3A_440, %parallel_loop3A_441], %parallel_loop3A_439 {strides = array<i32>} : memref<8x1024xf32, #tpu.memory_space<vmem>>, vector<16xf32>,
    } {sc.loop_unroll_factor = 8 : i64, sc.parallel_access}
    %add3A_190 = arith.constant 8 : i32
    %add3A_191 = arith.addi %mul3A_2, %add3A_190 : i32
    %dma_start3A_192 = arith.constant 0 : i32
    %dma_start3A_193 = tpu.memref_slice %arg4[%add3A_191, %dma_start3A_192] : memref<1024x1024xf32, #tpu.memory_space<hbm>> -> memref<8x1024xf32, #tpu.memory_space<hbm>>
    %dma_start3A_194 = arith.constant 0 : i32
    %dma_start3A_195 = tpu.memref_slice %arg4[%add3A_191, %dma_start3A_194] : memref<1024x1024xf32, #tpu.memory_space<hbm>> -> memref<8x1024xf32, #tpu.memory_space<hbm>>
    tpu.enqueue_dma source(%arg11 : memref<8x1024xf32, #tpu.memory_space<vmem>>) target(%dma_start3A_195 : memref<8x1024xf32, #tpu.memory_space<hbm>>) target_semaphore(%arg14 : memref<!tpu.dma_semaphore, #tpu.memory_space<semaphore_mem>>)
    %add3A_196 = arith.constant 16 : i32
    %add3A_197 = arith.addi %mul3A_2, %add3A_196 : i32
    %dma_start3A_198 = arith.constant 0 : i32
    %dma_start3A_199 = arith.constant 0 : i32
    %dma_start3A_200 = tpu.memref_slice %arg3[%dma_start3A_198, %add3A_197, %dma_start3A_199] : memref<5x1024x1024xi32, #tpu.memory_space<hbm>> -> memref<1x8x1024xi32, #tpu.memory_space<hbm>>
    %dma_start3A_201 = tpu.memref_squeeze %dma_start3A_200 : memref<1x8x1024xi32, #tpu.memory_space<hbm>> -> memref<8x1024xi32, #tpu.memory_space<hbm>>
    %dma_start3A_202 = arith.constant 0 : i32
    %dma_start3A_203 = tpu.memref_slice %arg3[%dma_start3A_198, %add3A_197, %dma_start3A_202] : memref<5x1024x1024xi32, #tpu.memory_space<hbm>> -> memref<1x8x1024xi32, #tpu.memory_space<hbm>>
    %dma_start3A_204 = tpu.memref_squeeze %dma_start3A_203 : memref<1x8x1024xi32, #tpu.memory_space<hbm>> -> memref<8x1024xi32, #tpu.memory_space<hbm>>
    tpu.enqueue_dma source(%dma_start3A_204 : memref<8x1024xi32, #tpu.memory_space<hbm>>) target(%arg6 : memref<8x1024xi32, #tpu.memory_space<vmem>>) target_semaphore(%arg13 : memref<!tpu.dma_semaphore, #tpu.memory_space<semaphore_mem>>)
    %dma_start3A_205 = arith.constant 1 : i32
    %dma_start3A_206 = arith.constant 0 : i32
    %dma_start3A_207 = tpu.memref_slice %arg3[%dma_start3A_205, %add3A_197, %dma_start3A_206] : memref<5x1024x1024xi32, #tpu.memory_space<hbm>> -> memref<1x8x1024xi32, #tpu.memory_space<hbm>>
    %dma_start3A_208 = tpu.memref_squeeze %dma_start3A_207 : memref<1x8x1024xi32, #tpu.memory_space<hbm>> -> memref<8x1024xi32, #tpu.memory_space<hbm>>
    %dma_start3A_209 = arith.constant 0 : i32
    %dma_start3A_210 = tpu.memref_slice %arg3[%dma_start3A_205, %add3A_197, %dma_start3A_209] : memref<5x1024x1024xi32, #tpu.memory_space<hbm>> -> memref<1x8x1024xi32, #tpu.memory_space<hbm>>
    %dma_start3A_211 = tpu.memref_squeeze %dma_start3A_210 : memref<1x8x1024xi32, #tpu.memory_space<hbm>> -> memref<8x1024xi32, #tpu.memory_space<hbm>>
    tpu.enqueue_dma source(%dma_start3A_211 : memref<8x1024xi32, #tpu.memory_space<hbm>>) target(%arg7 : memref<8x1024xi32, #tpu.memory_space<vmem>>) target_semaphore(%arg13 : memref<!tpu.dma_semaphore, #tpu.memory_space<semaphore_mem>>)
    %dma_start3A_212 = arith.constant 2 : i32
    %dma_start3A_213 = arith.constant 0 : i32
    %dma_start3A_214 = tpu.memref_slice %arg3[%dma_start3A_212, %add3A_197, %dma_start3A_213] : memref<5x1024x1024xi32, #tpu.memory_space<hbm>> -> memref<1x8x1024xi32, #tpu.memory_space<hbm>>
    %dma_start3A_215 = tpu.memref_squeeze %dma_start3A_214 : memref<1x8x1024xi32, #tpu.memory_space<hbm>> -> memref<8x1024xi32, #tpu.memory_space<hbm>>
    %dma_start3A_216 = arith.constant 0 : i32
    %dma_start3A_217 = tpu.memref_slice %arg3[%dma_start3A_212, %add3A_197, %dma_start3A_216] : memref<5x1024x1024xi32, #tpu.memory_space<hbm>> -> memref<1x8x1024xi32, #tpu.memory_space<hbm>>
    %dma_start3A_218 = tpu.memref_squeeze %dma_start3A_217 : memref<1x8x1024xi32, #tpu.memory_space<hbm>> -> memref<8x1024xi32, #tpu.memory_space<hbm>>
    tpu.enqueue_dma source(%dma_start3A_218 : memref<8x1024xi32, #tpu.memory_space<hbm>>) target(%arg8 : memref<8x1024xi32, #tpu.memory_space<vmem>>) target_semaphore(%arg13 : memref<!tpu.dma_semaphore, #tpu.memory_space<semaphore_mem>>)
    %dma_start3A_219 = arith.constant 3 : i32
    %dma_start3A_220 = arith.constant 0 : i32
    %dma_start3A_221 = tpu.memref_slice %arg3[%dma_start3A_219, %add3A_197, %dma_start3A_220] : memref<5x1024x1024xi32, #tpu.memory_space<hbm>> -> memref<1x8x1024xi32, #tpu.memory_space<hbm>>
    %dma_start3A_222 = tpu.memref_squeeze %dma_start3A_221 : memref<1x8x1024xi32, #tpu.memory_space<hbm>> -> memref<8x1024xi32, #tpu.memory_space<hbm>>
    %dma_start3A_223 = arith.constant 0 : i32
    %dma_start3A_224 = tpu.memref_slice %arg3[%dma_start3A_219, %add3A_197, %dma_start3A_223] : memref<5x1024x1024xi32, #tpu.memory_space<hbm>> -> memref<1x8x1024xi32, #tpu.memory_space<hbm>>
    %dma_start3A_225 = tpu.memref_squeeze %dma_start3A_224 : memref<1x8x1024xi32, #tpu.memory_space<hbm>> -> memref<8x1024xi32, #tpu.memory_space<hbm>>
    tpu.enqueue_dma source(%dma_start3A_225 : memref<8x1024xi32, #tpu.memory_space<hbm>>) target(%arg9 : memref<8x1024xi32, #tpu.memory_space<vmem>>) target_semaphore(%arg13 : memref<!tpu.dma_semaphore, #tpu.memory_space<semaphore_mem>>)
    %dma_start3A_226 = arith.constant 4 : i32
    %dma_start3A_227 = arith.constant 0 : i32
    %dma_start3A_228 = tpu.memref_slice %arg3[%dma_start3A_226, %add3A_197, %dma_start3A_227] : memref<5x1024x1024xi32, #tpu.memory_space<hbm>> -> memref<1x8x1024xi32, #tpu.memory_space<hbm>>
    %dma_start3A_229 = tpu.memref_squeeze %dma_start3A_228 : memref<1x8x1024xi32, #tpu.memory_space<hbm>> -> memref<8x1024xi32, #tpu.memory_space<hbm>>
    %dma_start3A_230 = arith.constant 0 : i32
    %dma_start3A_231 = tpu.memref_slice %arg3[%dma_start3A_226, %add3A_197, %dma_start3A_230] : memref<5x1024x1024xi32, #tpu.memory_space<hbm>> -> memref<1x8x1024xi32, #tpu.memory_space<hbm>>
    %dma_start3A_232 = tpu.memref_squeeze %dma_start3A_231 : memref<1x8x1024xi32, #tpu.memory_space<hbm>> -> memref<8x1024xi32, #tpu.memory_space<hbm>>
    tpu.enqueue_dma source(%dma_start3A_232 : memref<8x1024xi32, #tpu.memory_space<hbm>>) target(%arg10 : memref<8x1024xi32, #tpu.memory_space<vmem>>) target_semaphore(%arg13 : memref<!tpu.dma_semaphore, #tpu.memory_space<semaphore_mem>>)
    %dma_wait3A_233 = arith.constant 0 : i32
    %dma_wait3A_234 = arith.constant 0 : i32
    %dma_wait3A_235 = arith.constant 0 : i32
    %dma_wait3A_236 = tpu.memref_slice %arg3[%dma_wait3A_233, %dma_wait3A_234, %dma_wait3A_235] : memref<5x1024x1024xi32, #tpu.memory_space<hbm>> -> memref<1x8x1024xi32, #tpu.memory_space<hbm>>
    %dma_wait3A_237 = tpu.memref_squeeze %dma_wait3A_236 : memref<1x8x1024xi32, #tpu.memory_space<hbm>> -> memref<8x1024xi32, #tpu.memory_space<hbm>>
    %dma_wait3A_238 = arith.constant 0 : i32
    %dma_wait3A_239 = arith.constant 0 : i32
    %dma_wait3A_240 = tpu.memref_slice %arg3[%dma_wait3A_233, %dma_wait3A_238, %dma_wait3A_239] : memref<5x1024x1024xi32, #tpu.memory_space<hbm>> -> memref<1x8x1024xi32, #tpu.memory_space<hbm>>
    %dma_wait3A_241 = tpu.memref_squeeze %dma_wait3A_240 : memref<1x8x1024xi32, #tpu.memory_space<hbm>> -> memref<8x1024xi32, #tpu.memory_space<hbm>>
    tpu.wait_dma2 semaphore(%arg13 : memref<!tpu.dma_semaphore, #tpu.memory_space<semaphore_mem>>) src(%dma_wait3A_241 : memref<8x1024xi32, #tpu.memory_space<hbm>>) dst(%arg6 : memref<8x1024xi32, #tpu.memory_space<vmem>>)
    %dma_wait3A_242 = arith.constant 0 : i32
    %dma_wait3A_243 = arith.constant 0 : i32
    %dma_wait3A_244 = arith.constant 0 : i32
    %dma_wait3A_245 = tpu.memref_slice %arg3[%dma_wait3A_242, %dma_wait3A_243, %dma_wait3A_244] : memref<5x1024x1024xi32, #tpu.memory_space<hbm>> -> memref<1x8x1024xi32, #tpu.memory_space<hbm>>
    %dma_wait3A_246 = tpu.memref_squeeze %dma_wait3A_245 : memref<1x8x1024xi32, #tpu.memory_space<hbm>> -> memref<8x1024xi32, #tpu.memory_space<hbm>>
    %dma_wait3A_247 = arith.constant 0 : i32
    %dma_wait3A_248 = arith.constant 0 : i32
    %dma_wait3A_249 = tpu.memref_slice %arg3[%dma_wait3A_242, %dma_wait3A_247, %dma_wait3A_248] : memref<5x1024x1024xi32, #tpu.memory_space<hbm>> -> memref<1x8x1024xi32, #tpu.memory_space<hbm>>
    %dma_wait3A_250 = tpu.memref_squeeze %dma_wait3A_249 : memref<1x8x1024xi32, #tpu.memory_space<hbm>> -> memref<8x1024xi32, #tpu.memory_space<hbm>>
    tpu.wait_dma2 semaphore(%arg13 : memref<!tpu.dma_semaphore, #tpu.memory_space<semaphore_mem>>) src(%dma_wait3A_250 : memref<8x1024xi32, #tpu.memory_space<hbm>>) dst(%arg7 : memref<8x1024xi32, #tpu.memory_space<vmem>>)
    %dma_wait3A_251 = arith.constant 0 : i32
    %dma_wait3A_252 = arith.constant 0 : i32
    %dma_wait3A_253 = arith.constant 0 : i32
    %dma_wait3A_254 = tpu.memref_slice %arg3[%dma_wait3A_251, %dma_wait3A_252, %dma_wait3A_253] : memref<5x1024x1024xi32, #tpu.memory_space<hbm>> -> memref<1x8x1024xi32, #tpu.memory_space<hbm>>
    %dma_wait3A_255 = tpu.memref_squeeze %dma_wait3A_254 : memref<1x8x1024xi32, #tpu.memory_space<hbm>> -> memref<8x1024xi32, #tpu.memory_space<hbm>>
    %dma_wait3A_256 = arith.constant 0 : i32
    %dma_wait3A_257 = arith.constant 0 : i32
    %dma_wait3A_258 = tpu.memref_slice %arg3[%dma_wait3A_251, %dma_wait3A_256, %dma_wait3A_257] : memref<5x1024x1024xi32, #tpu.memory_space<hbm>> -> memref<1x8x1024xi32, #tpu.memory_space<hbm>>
    %dma_wait3A_259 = tpu.memref_squeeze %dma_wait3A_258 : memref<1x8x1024xi32, #tpu.memory_space<hbm>> -> memref<8x1024xi32, #tpu.memory_space<hbm>>
    tpu.wait_dma2 semaphore(%arg13 : memref<!tpu.dma_semaphore, #tpu.memory_space<semaphore_mem>>) src(%dma_wait3A_259 : memref<8x1024xi32, #tpu.memory_space<hbm>>) dst(%arg8 : memref<8x1024xi32, #tpu.memory_space<vmem>>)
    %dma_wait3A_260 = arith.constant 0 : i32
    %dma_wait3A_261 = arith.constant 0 : i32
    %dma_wait3A_262 = arith.constant 0 : i32
    %dma_wait3A_263 = tpu.memref_slice %arg3[%dma_wait3A_260, %dma_wait3A_261, %dma_wait3A_262] : memref<5x1024x1024xi32, #tpu.memory_space<hbm>> -> memref<1x8x1024xi32, #tpu.memory_space<hbm>>
    %dma_wait3A_264 = tpu.memref_squeeze %dma_wait3A_263 : memref<1x8x1024xi32, #tpu.memory_space<hbm>> -> memref<8x1024xi32, #tpu.memory_space<hbm>>
    %dma_wait3A_265 = arith.constant 0 : i32
    %dma_wait3A_266 = arith.constant 0 : i32
    %dma_wait3A_267 = tpu.memref_slice %arg3[%dma_wait3A_260, %dma_wait3A_265, %dma_wait3A_266] : memref<5x1024x1024xi32, #tpu.memory_space<hbm>> -> memref<1x8x1024xi32, #tpu.memory_space<hbm>>
    %dma_wait3A_268 = tpu.memref_squeeze %dma_wait3A_267 : memref<1x8x1024xi32, #tpu.memory_space<hbm>> -> memref<8x1024xi32, #tpu.memory_space<hbm>>
    tpu.wait_dma2 semaphore(%arg13 : memref<!tpu.dma_semaphore, #tpu.memory_space<semaphore_mem>>) src(%dma_wait3A_268 : memref<8x1024xi32, #tpu.memory_space<hbm>>) dst(%arg9 : memref<8x1024xi32, #tpu.memory_space<vmem>>)
    %dma_wait3A_269 = arith.constant 0 : i32
    %dma_wait3A_270 = arith.constant 0 : i32
    %dma_wait3A_271 = arith.constant 0 : i32
    %dma_wait3A_272 = tpu.memref_slice %arg3[%dma_wait3A_269, %dma_wait3A_270, %dma_wait3A_271] : memref<5x1024x1024xi32, #tpu.memory_space<hbm>> -> memref<1x8x1024xi32, #tpu.memory_space<hbm>>
    %dma_wait3A_273 = tpu.memref_squeeze %dma_wait3A_272 : memref<1x8x1024xi32, #tpu.memory_space<hbm>> -> memref<8x1024xi32, #tpu.memory_space<hbm>>
    %dma_wait3A_274 = arith.constant 0 : i32
    %dma_wait3A_275 = arith.constant 0 : i32
    %dma_wait3A_276 = tpu.memref_slice %arg3[%dma_wait3A_269, %dma_wait3A_274, %dma_wait3A_275] : memref<5x1024x1024xi32, #tpu.memory_space<hbm>> -> memref<1x8x1024xi32, #tpu.memory_space<hbm>>
    %dma_wait3A_277 = tpu.memref_squeeze %dma_wait3A_276 : memref<1x8x1024xi32, #tpu.memory_space<hbm>> -> memref<8x1024xi32, #tpu.memory_space<hbm>>
    tpu.wait_dma2 semaphore(%arg13 : memref<!tpu.dma_semaphore, #tpu.memory_space<semaphore_mem>>) src(%dma_wait3A_277 : memref<8x1024xi32, #tpu.memory_space<hbm>>) dst(%arg10 : memref<8x1024xi32, #tpu.memory_space<vmem>>)
    %add3A_278 = arith.constant 0 : i32
    %add3A_279 = arith.addi %mul3A_2, %add3A_278 : i32
    %dma_wait3A_280 = arith.constant 0 : i32
    %dma_wait3A_281 = tpu.memref_slice %arg4[%add3A_279, %dma_wait3A_280] : memref<1024x1024xf32, #tpu.memory_space<hbm>> -> memref<8x1024xf32, #tpu.memory_space<hbm>>
    %dma_wait3A_282 = arith.constant 0 : i32
    %dma_wait3A_283 = tpu.memref_slice %arg4[%add3A_279, %dma_wait3A_282] : memref<1024x1024xf32, #tpu.memory_space<hbm>> -> memref<8x1024xf32, #tpu.memory_space<hbm>>
    tpu.wait_dma2 semaphore(%arg14 : memref<!tpu.dma_semaphore, #tpu.memory_space<semaphore_mem>>) src(%dma_wait3A_283 : memref<8x1024xf32, #tpu.memory_space<hbm>>) dst(%arg11 : memref<8x1024xf32, #tpu.memory_space<vmem>>)
    %parallel_loop3A_284 = arith.constant 0 : i32
    %parallel_loop3A_285 = arith.constant 512 : i32
    %parallel_loop3A_286 = arith.constant 1 : i32
    scf.for %parallel_loop3A_396 = %parallel_loop3A_284 to %parallel_loop3A_285 step %parallel_loop3A_286  : i32 {
      %parallel_loop3A_397 = arith.constant 16 : i32
      %parallel_loop3A_398 = arith.muli %parallel_loop3A_396, %parallel_loop3A_397 : i32
      %parallel_loop3A_399 = arith.constant 10 : i32
      %parallel_loop3A_400 = arith.shrsi %parallel_loop3A_398, %parallel_loop3A_399 : i32
      %parallel_loop3A_401 = arith.constant 1023 : i32
      %parallel_loop3A_402 = arith.andi %parallel_loop3A_398, %parallel_loop3A_401 : i32
      %parallel_loop3A_403 = arith.constant 0.000000e+00 : f32
      %parallel_loop3A_404 = vector.broadcast %parallel_loop3A_403 : f32 to vector<16xf32>
      %parallel_loop3A_405 = arith.index_cast %parallel_loop3A_400 : i32 to index
      %parallel_loop3A_406 = arith.index_cast %parallel_loop3A_402 : i32 to index
      %parallel_loop3A_407 = tpu.vector_load %arg6[%parallel_loop3A_405, %parallel_loop3A_406] {strides = array<i32>} : memref<8x1024xi32, #tpu.memory_space<vmem>>, vector<16xi32>,
      %parallel_loop3A_408 = arith.constant 0 : i32
      %parallel_loop3A_409 = tpu.memref_slice %arg5[%parallel_loop3A_408] : memref<81920xf32, #tpu.memory_space<vmem>> -> memref<16384xf32, #tpu.memory_space<vmem>>
      %parallel_loop3A_410 = tpu.vector_load_idx %parallel_loop3A_409[%parallel_loop3A_407] : memref<16384xf32, #tpu.memory_space<vmem>>[vector<16xi32>], vector<16xf32>,
      %parallel_loop3A_411 = arith.addf %parallel_loop3A_404, %parallel_loop3A_410 : vector<16xf32>
      %parallel_loop3A_412 = arith.index_cast %parallel_loop3A_400 : i32 to index
      %parallel_loop3A_413 = arith.index_cast %parallel_loop3A_402 : i32 to index
      %parallel_loop3A_414 = tpu.vector_load %arg7[%parallel_loop3A_412, %parallel_loop3A_413] {strides = array<i32>} : memref<8x1024xi32, #tpu.memory_space<vmem>>, vector<16xi32>,
      %parallel_loop3A_415 = arith.constant 16384 : i32
      %parallel_loop3A_416 = tpu.memref_slice %arg5[%parallel_loop3A_415] : memref<81920xf32, #tpu.memory_space<vmem>> -> memref<16384xf32, #tpu.memory_space<vmem>>
      %parallel_loop3A_417 = tpu.vector_load_idx %parallel_loop3A_416[%parallel_loop3A_414] : memref<16384xf32, #tpu.memory_space<vmem>>[vector<16xi32>], vector<16xf32>,
      %parallel_loop3A_418 = arith.addf %parallel_loop3A_411, %parallel_loop3A_417 : vector<16xf32>
      %parallel_loop3A_419 = arith.index_cast %parallel_loop3A_400 : i32 to index
      %parallel_loop3A_420 = arith.index_cast %parallel_loop3A_402 : i32 to index
      %parallel_loop3A_421 = tpu.vector_load %arg8[%parallel_loop3A_419, %parallel_loop3A_420] {strides = array<i32>} : memref<8x1024xi32, #tpu.memory_space<vmem>>, vector<16xi32>,
      %parallel_loop3A_422 = arith.constant 32768 : i32
      %parallel_loop3A_423 = tpu.memref_slice %arg5[%parallel_loop3A_422] : memref<81920xf32, #tpu.memory_space<vmem>> -> memref<16384xf32, #tpu.memory_space<vmem>>
      %parallel_loop3A_424 = tpu.vector_load_idx %parallel_loop3A_423[%parallel_loop3A_421] : memref<16384xf32, #tpu.memory_space<vmem>>[vector<16xi32>], vector<16xf32>,
      %parallel_loop3A_425 = arith.addf %parallel_loop3A_418, %parallel_loop3A_424 : vector<16xf32>
      %parallel_loop3A_426 = arith.index_cast %parallel_loop3A_400 : i32 to index
      %parallel_loop3A_427 = arith.index_cast %parallel_loop3A_402 : i32 to index
      %parallel_loop3A_428 = tpu.vector_load %arg9[%parallel_loop3A_426, %parallel_loop3A_427] {strides = array<i32>} : memref<8x1024xi32, #tpu.memory_space<vmem>>, vector<16xi32>,
      %parallel_loop3A_429 = arith.constant 49152 : i32
      %parallel_loop3A_430 = tpu.memref_slice %arg5[%parallel_loop3A_429] : memref<81920xf32, #tpu.memory_space<vmem>> -> memref<16384xf32, #tpu.memory_space<vmem>>
      %parallel_loop3A_431 = tpu.vector_load_idx %parallel_loop3A_430[%parallel_loop3A_428] : memref<16384xf32, #tpu.memory_space<vmem>>[vector<16xi32>], vector<16xf32>,
      %parallel_loop3A_432 = arith.addf %parallel_loop3A_425, %parallel_loop3A_431 : vector<16xf32>
      %parallel_loop3A_433 = arith.index_cast %parallel_loop3A_400 : i32 to index
      %parallel_loop3A_434 = arith.index_cast %parallel_loop3A_402 : i32 to index
      %parallel_loop3A_435 = tpu.vector_load %arg10[%parallel_loop3A_433, %parallel_loop3A_434] {strides = array<i32>} : memref<8x1024xi32, #tpu.memory_space<vmem>>, vector<16xi32>,
      %parallel_loop3A_436 = arith.constant 65536 : i32
      %parallel_loop3A_437 = tpu.memref_slice %arg5[%parallel_loop3A_436] : memref<81920xf32, #tpu.memory_space<vmem>> -> memref<16384xf32, #tpu.memory_space<vmem>>
      %parallel_loop3A_438 = tpu.vector_load_idx %parallel_loop3A_437[%parallel_loop3A_435] : memref<16384xf32, #tpu.memory_space<vmem>>[vector<16xi32>], vector<16xf32>,
      %parallel_loop3A_439 = arith.addf %parallel_loop3A_432, %parallel_loop3A_438 : vector<16xf32>
      %parallel_loop3A_440 = arith.index_cast %parallel_loop3A_400 : i32 to index
      %parallel_loop3A_441 = arith.index_cast %parallel_loop3A_402 : i32 to index
      %parallel_loop3A_442 = tpu.vector_load %arg11[%parallel_loop3A_440, %parallel_loop3A_441] {strides = array<i32>} : memref<8x1024xf32, #tpu.memory_space<vmem>>, vector<16xf32>,
      tpu.vector_store %arg11[%parallel_loop3A_440, %parallel_loop3A_441], %parallel_loop3A_439 {strides = array<i32>} : memref<8x1024xf32, #tpu.memory_space<vmem>>, vector<16xf32>,
    } {sc.loop_unroll_factor = 8 : i64, sc.parallel_access}
    %add3A_287 = arith.constant 16 : i32
    %add3A_288 = arith.addi %mul3A_2, %add3A_287 : i32
    %dma_start3A_289 = arith.constant 0 : i32
    %dma_start3A_290 = tpu.memref_slice %arg4[%add3A_288, %dma_start3A_289] : memref<1024x1024xf32, #tpu.memory_space<hbm>> -> memref<8x1024xf32, #tpu.memory_space<hbm>>
    %dma_start3A_291 = arith.constant 0 : i32
    %dma_start3A_292 = tpu.memref_slice %arg4[%add3A_288, %dma_start3A_291] : memref<1024x1024xf32, #tpu.memory_space<hbm>> -> memref<8x1024xf32, #tpu.memory_space<hbm>>
    tpu.enqueue_dma source(%arg11 : memref<8x1024xf32, #tpu.memory_space<vmem>>) target(%dma_start3A_292 : memref<8x1024xf32, #tpu.memory_space<hbm>>) target_semaphore(%arg14 : memref<!tpu.dma_semaphore, #tpu.memory_space<semaphore_mem>>)
    %add3A_293 = arith.constant 24 : i32
    %add3A_294 = arith.addi %mul3A_2, %add3A_293 : i32
    %dma_start3A_295 = arith.constant 0 : i32
    %dma_start3A_296 = arith.constant 0 : i32
    %dma_start3A_297 = tpu.memref_slice %arg3[%dma_start3A_295, %add3A_294, %dma_start3A_296] : memref<5x1024x1024xi32, #tpu.memory_space<hbm>> -> memref<1x8x1024xi32, #tpu.memory_space<hbm>>
    %dma_start3A_298 = tpu.memref_squeeze %dma_start3A_297 : memref<1x8x1024xi32, #tpu.memory_space<hbm>> -> memref<8x1024xi32, #tpu.memory_space<hbm>>
    %dma_start3A_299 = arith.constant 0 : i32
    %dma_start3A_300 = tpu.memref_slice %arg3[%dma_start3A_295, %add3A_294, %dma_start3A_299] : memref<5x1024x1024xi32, #tpu.memory_space<hbm>> -> memref<1x8x1024xi32, #tpu.memory_space<hbm>>
    %dma_start3A_301 = tpu.memref_squeeze %dma_start3A_300 : memref<1x8x1024xi32, #tpu.memory_space<hbm>> -> memref<8x1024xi32, #tpu.memory_space<hbm>>
    tpu.enqueue_dma source(%dma_start3A_301 : memref<8x1024xi32, #tpu.memory_space<hbm>>) target(%arg6 : memref<8x1024xi32, #tpu.memory_space<vmem>>) target_semaphore(%arg13 : memref<!tpu.dma_semaphore, #tpu.memory_space<semaphore_mem>>)
    %dma_start3A_302 = arith.constant 1 : i32
    %dma_start3A_303 = arith.constant 0 : i32
    %dma_start3A_304 = tpu.memref_slice %arg3[%dma_start3A_302, %add3A_294, %dma_start3A_303] : memref<5x1024x1024xi32, #tpu.memory_space<hbm>> -> memref<1x8x1024xi32, #tpu.memory_space<hbm>>
    %dma_start3A_305 = tpu.memref_squeeze %dma_start3A_304 : memref<1x8x1024xi32, #tpu.memory_space<hbm>> -> memref<8x1024xi32, #tpu.memory_space<hbm>>
    %dma_start3A_306 = arith.constant 0 : i32
    %dma_start3A_307 = tpu.memref_slice %arg3[%dma_start3A_302, %add3A_294, %dma_start3A_306] : memref<5x1024x1024xi32, #tpu.memory_space<hbm>> -> memref<1x8x1024xi32, #tpu.memory_space<hbm>>
    %dma_start3A_308 = tpu.memref_squeeze %dma_start3A_307 : memref<1x8x1024xi32, #tpu.memory_space<hbm>> -> memref<8x1024xi32, #tpu.memory_space<hbm>>
    tpu.enqueue_dma source(%dma_start3A_308 : memref<8x1024xi32, #tpu.memory_space<hbm>>) target(%arg7 : memref<8x1024xi32, #tpu.memory_space<vmem>>) target_semaphore(%arg13 : memref<!tpu.dma_semaphore, #tpu.memory_space<semaphore_mem>>)
    %dma_start3A_309 = arith.constant 2 : i32
    %dma_start3A_310 = arith.constant 0 : i32
    %dma_start3A_311 = tpu.memref_slice %arg3[%dma_start3A_309, %add3A_294, %dma_start3A_310] : memref<5x1024x1024xi32, #tpu.memory_space<hbm>> -> memref<1x8x1024xi32, #tpu.memory_space<hbm>>
    %dma_start3A_312 = tpu.memref_squeeze %dma_start3A_311 : memref<1x8x1024xi32, #tpu.memory_space<hbm>> -> memref<8x1024xi32, #tpu.memory_space<hbm>>
    %dma_start3A_313 = arith.constant 0 : i32
    %dma_start3A_314 = tpu.memref_slice %arg3[%dma_start3A_309, %add3A_294, %dma_start3A_313] : memref<5x1024x1024xi32, #tpu.memory_space<hbm>> -> memref<1x8x1024xi32, #tpu.memory_space<hbm>>
    %dma_start3A_315 = tpu.memref_squeeze %dma_start3A_314 : memref<1x8x1024xi32, #tpu.memory_space<hbm>> -> memref<8x1024xi32, #tpu.memory_space<hbm>>
    tpu.enqueue_dma source(%dma_start3A_315 : memref<8x1024xi32, #tpu.memory_space<hbm>>) target(%arg8 : memref<8x1024xi32, #tpu.memory_space<vmem>>) target_semaphore(%arg13 : memref<!tpu.dma_semaphore, #tpu.memory_space<semaphore_mem>>)
    %dma_start3A_316 = arith.constant 3 : i32
    %dma_start3A_317 = arith.constant 0 : i32
    %dma_start3A_318 = tpu.memref_slice %arg3[%dma_start3A_316, %add3A_294, %dma_start3A_317] : memref<5x1024x1024xi32, #tpu.memory_space<hbm>> -> memref<1x8x1024xi32, #tpu.memory_space<hbm>>
    %dma_start3A_319 = tpu.memref_squeeze %dma_start3A_318 : memref<1x8x1024xi32, #tpu.memory_space<hbm>> -> memref<8x1024xi32, #tpu.memory_space<hbm>>
    %dma_start3A_320 = arith.constant 0 : i32
    %dma_start3A_321 = tpu.memref_slice %arg3[%dma_start3A_316, %add3A_294, %dma_start3A_320] : memref<5x1024x1024xi32, #tpu.memory_space<hbm>> -> memref<1x8x1024xi32, #tpu.memory_space<hbm>>
    %dma_start3A_322 = tpu.memref_squeeze %dma_start3A_321 : memref<1x8x1024xi32, #tpu.memory_space<hbm>> -> memref<8x1024xi32, #tpu.memory_space<hbm>>
    tpu.enqueue_dma source(%dma_start3A_322 : memref<8x1024xi32, #tpu.memory_space<hbm>>) target(%arg9 : memref<8x1024xi32, #tpu.memory_space<vmem>>) target_semaphore(%arg13 : memref<!tpu.dma_semaphore, #tpu.memory_space<semaphore_mem>>)
    %dma_start3A_323 = arith.constant 4 : i32
    %dma_start3A_324 = arith.constant 0 : i32
    %dma_start3A_325 = tpu.memref_slice %arg3[%dma_start3A_323, %add3A_294, %dma_start3A_324] : memref<5x1024x1024xi32, #tpu.memory_space<hbm>> -> memref<1x8x1024xi32, #tpu.memory_space<hbm>>
    %dma_start3A_326 = tpu.memref_squeeze %dma_start3A_325 : memref<1x8x1024xi32, #tpu.memory_space<hbm>> -> memref<8x1024xi32, #tpu.memory_space<hbm>>
    %dma_start3A_327 = arith.constant 0 : i32
    %dma_start3A_328 = tpu.memref_slice %arg3[%dma_start3A_323, %add3A_294, %dma_start3A_327] : memref<5x1024x1024xi32, #tpu.memory_space<hbm>> -> memref<1x8x1024xi32, #tpu.memory_space<hbm>>
    %dma_start3A_329 = tpu.memref_squeeze %dma_start3A_328 : memref<1x8x1024xi32, #tpu.memory_space<hbm>> -> memref<8x1024xi32, #tpu.memory_space<hbm>>
    tpu.enqueue_dma source(%dma_start3A_329 : memref<8x1024xi32, #tpu.memory_space<hbm>>) target(%arg10 : memref<8x1024xi32, #tpu.memory_space<vmem>>) target_semaphore(%arg13 : memref<!tpu.dma_semaphore, #tpu.memory_space<semaphore_mem>>)
    %dma_wait3A_330 = arith.constant 0 : i32
    %dma_wait3A_331 = arith.constant 0 : i32
    %dma_wait3A_332 = arith.constant 0 : i32
    %dma_wait3A_333 = tpu.memref_slice %arg3[%dma_wait3A_330, %dma_wait3A_331, %dma_wait3A_332] : memref<5x1024x1024xi32, #tpu.memory_space<hbm>> -> memref<1x8x1024xi32, #tpu.memory_space<hbm>>
    %dma_wait3A_334 = tpu.memref_squeeze %dma_wait3A_333 : memref<1x8x1024xi32, #tpu.memory_space<hbm>> -> memref<8x1024xi32, #tpu.memory_space<hbm>>
    %dma_wait3A_335 = arith.constant 0 : i32
    %dma_wait3A_336 = arith.constant 0 : i32
    %dma_wait3A_337 = tpu.memref_slice %arg3[%dma_wait3A_330, %dma_wait3A_335, %dma_wait3A_336] : memref<5x1024x1024xi32, #tpu.memory_space<hbm>> -> memref<1x8x1024xi32, #tpu.memory_space<hbm>>
    %dma_wait3A_338 = tpu.memref_squeeze %dma_wait3A_337 : memref<1x8x1024xi32, #tpu.memory_space<hbm>> -> memref<8x1024xi32, #tpu.memory_space<hbm>>
    tpu.wait_dma2 semaphore(%arg13 : memref<!tpu.dma_semaphore, #tpu.memory_space<semaphore_mem>>) src(%dma_wait3A_338 : memref<8x1024xi32, #tpu.memory_space<hbm>>) dst(%arg6 : memref<8x1024xi32, #tpu.memory_space<vmem>>)
    %dma_wait3A_339 = arith.constant 0 : i32
    %dma_wait3A_340 = arith.constant 0 : i32
    %dma_wait3A_341 = arith.constant 0 : i32
    %dma_wait3A_342 = tpu.memref_slice %arg3[%dma_wait3A_339, %dma_wait3A_340, %dma_wait3A_341] : memref<5x1024x1024xi32, #tpu.memory_space<hbm>> -> memref<1x8x1024xi32, #tpu.memory_space<hbm>>
    %dma_wait3A_343 = tpu.memref_squeeze %dma_wait3A_342 : memref<1x8x1024xi32, #tpu.memory_space<hbm>> -> memref<8x1024xi32, #tpu.memory_space<hbm>>
    %dma_wait3A_344 = arith.constant 0 : i32
    %dma_wait3A_345 = arith.constant 0 : i32
    %dma_wait3A_346 = tpu.memref_slice %arg3[%dma_wait3A_339, %dma_wait3A_344, %dma_wait3A_345] : memref<5x1024x1024xi32, #tpu.memory_space<hbm>> -> memref<1x8x1024xi32, #tpu.memory_space<hbm>>
    %dma_wait3A_347 = tpu.memref_squeeze %dma_wait3A_346 : memref<1x8x1024xi32, #tpu.memory_space<hbm>> -> memref<8x1024xi32, #tpu.memory_space<hbm>>
    tpu.wait_dma2 semaphore(%arg13 : memref<!tpu.dma_semaphore, #tpu.memory_space<semaphore_mem>>) src(%dma_wait3A_347 : memref<8x1024xi32, #tpu.memory_space<hbm>>) dst(%arg7 : memref<8x1024xi32, #tpu.memory_space<vmem>>)
    %dma_wait3A_348 = arith.constant 0 : i32
    %dma_wait3A_349 = arith.constant 0 : i32
    %dma_wait3A_350 = arith.constant 0 : i32
    %dma_wait3A_351 = tpu.memref_slice %arg3[%dma_wait3A_348, %dma_wait3A_349, %dma_wait3A_350] : memref<5x1024x1024xi32, #tpu.memory_space<hbm>> -> memref<1x8x1024xi32, #tpu.memory_space<hbm>>
    %dma_wait3A_352 = tpu.memref_squeeze %dma_wait3A_351 : memref<1x8x1024xi32, #tpu.memory_space<hbm>> -> memref<8x1024xi32, #tpu.memory_space<hbm>>
    %dma_wait3A_353 = arith.constant 0 : i32
    %dma_wait3A_354 = arith.constant 0 : i32
    %dma_wait3A_355 = tpu.memref_slice %arg3[%dma_wait3A_348, %dma_wait3A_353, %dma_wait3A_354] : memref<5x1024x1024xi32, #tpu.memory_space<hbm>> -> memref<1x8x1024xi32, #tpu.memory_space<hbm>>
    %dma_wait3A_356 = tpu.memref_squeeze %dma_wait3A_355 : memref<1x8x1024xi32, #tpu.memory_space<hbm>> -> memref<8x1024xi32, #tpu.memory_space<hbm>>
    tpu.wait_dma2 semaphore(%arg13 : memref<!tpu.dma_semaphore, #tpu.memory_space<semaphore_mem>>) src(%dma_wait3A_356 : memref<8x1024xi32, #tpu.memory_space<hbm>>) dst(%arg8 : memref<8x1024xi32, #tpu.memory_space<vmem>>)
    %dma_wait3A_357 = arith.constant 0 : i32
    %dma_wait3A_358 = arith.constant 0 : i32
    %dma_wait3A_359 = arith.constant 0 : i32
    %dma_wait3A_360 = tpu.memref_slice %arg3[%dma_wait3A_357, %dma_wait3A_358, %dma_wait3A_359] : memref<5x1024x1024xi32, #tpu.memory_space<hbm>> -> memref<1x8x1024xi32, #tpu.memory_space<hbm>>
    %dma_wait3A_361 = tpu.memref_squeeze %dma_wait3A_360 : memref<1x8x1024xi32, #tpu.memory_space<hbm>> -> memref<8x1024xi32, #tpu.memory_space<hbm>>
    %dma_wait3A_362 = arith.constant 0 : i32
    %dma_wait3A_363 = arith.constant 0 : i32
    %dma_wait3A_364 = tpu.memref_slice %arg3[%dma_wait3A_357, %dma_wait3A_362, %dma_wait3A_363] : memref<5x1024x1024xi32, #tpu.memory_space<hbm>> -> memref<1x8x1024xi32, #tpu.memory_space<hbm>>
    %dma_wait3A_365 = tpu.memref_squeeze %dma_wait3A_364 : memref<1x8x1024xi32, #tpu.memory_space<hbm>> -> memref<8x1024xi32, #tpu.memory_space<hbm>>
    tpu.wait_dma2 semaphore(%arg13 : memref<!tpu.dma_semaphore, #tpu.memory_space<semaphore_mem>>) src(%dma_wait3A_365 : memref<8x1024xi32, #tpu.memory_space<hbm>>) dst(%arg9 : memref<8x1024xi32, #tpu.memory_space<vmem>>)
    %dma_wait3A_366 = arith.constant 0 : i32
    %dma_wait3A_367 = arith.constant 0 : i32
    %dma_wait3A_368 = arith.constant 0 : i32
    %dma_wait3A_369 = tpu.memref_slice %arg3[%dma_wait3A_366, %dma_wait3A_367, %dma_wait3A_368] : memref<5x1024x1024xi32, #tpu.memory_space<hbm>> -> memref<1x8x1024xi32, #tpu.memory_space<hbm>>
    %dma_wait3A_370 = tpu.memref_squeeze %dma_wait3A_369 : memref<1x8x1024xi32, #tpu.memory_space<hbm>> -> memref<8x1024xi32, #tpu.memory_space<hbm>>
    %dma_wait3A_371 = arith.constant 0 : i32
    %dma_wait3A_372 = arith.constant 0 : i32
    %dma_wait3A_373 = tpu.memref_slice %arg3[%dma_wait3A_366, %dma_wait3A_371, %dma_wait3A_372] : memref<5x1024x1024xi32, #tpu.memory_space<hbm>> -> memref<1x8x1024xi32, #tpu.memory_space<hbm>>
    %dma_wait3A_374 = tpu.memref_squeeze %dma_wait3A_373 : memref<1x8x1024xi32, #tpu.memory_space<hbm>> -> memref<8x1024xi32, #tpu.memory_space<hbm>>
    tpu.wait_dma2 semaphore(%arg13 : memref<!tpu.dma_semaphore, #tpu.memory_space<semaphore_mem>>) src(%dma_wait3A_374 : memref<8x1024xi32, #tpu.memory_space<hbm>>) dst(%arg10 : memref<8x1024xi32, #tpu.memory_space<vmem>>)
    %add3A_375 = arith.constant 0 : i32
    %add3A_376 = arith.addi %mul3A_2, %add3A_375 : i32
    %dma_wait3A_377 = arith.constant 0 : i32
    %dma_wait3A_378 = tpu.memref_slice %arg4[%add3A_376, %dma_wait3A_377] : memref<1024x1024xf32, #tpu.memory_space<hbm>> -> memref<8x1024xf32, #tpu.memory_space<hbm>>
    %dma_wait3A_379 = arith.constant 0 : i32
    %dma_wait3A_380 = tpu.memref_slice %arg4[%add3A_376, %dma_wait3A_379] : memref<1024x1024xf32, #tpu.memory_space<hbm>> -> memref<8x1024xf32, #tpu.memory_space<hbm>>
    tpu.wait_dma2 semaphore(%arg14 : memref<!tpu.dma_semaphore, #tpu.memory_space<semaphore_mem>>) src(%dma_wait3A_380 : memref<8x1024xf32, #tpu.memory_space<hbm>>) dst(%arg11 : memref<8x1024xf32, #tpu.memory_space<vmem>>)
    %parallel_loop3A_381 = arith.constant 0 : i32
    %parallel_loop3A_382 = arith.constant 512 : i32
    %parallel_loop3A_383 = arith.constant 1 : i32
    scf.for %parallel_loop3A_396 = %parallel_loop3A_381 to %parallel_loop3A_382 step %parallel_loop3A_383  : i32 {
      %parallel_loop3A_397 = arith.constant 16 : i32
      %parallel_loop3A_398 = arith.muli %parallel_loop3A_396, %parallel_loop3A_397 : i32
      %parallel_loop3A_399 = arith.constant 10 : i32
      %parallel_loop3A_400 = arith.shrsi %parallel_loop3A_398, %parallel_loop3A_399 : i32
      %parallel_loop3A_401 = arith.constant 1023 : i32
      %parallel_loop3A_402 = arith.andi %parallel_loop3A_398, %parallel_loop3A_401 : i32
      %parallel_loop3A_403 = arith.constant 0.000000e+00 : f32
      %parallel_loop3A_404 = vector.broadcast %parallel_loop3A_403 : f32 to vector<16xf32>
      %parallel_loop3A_405 = arith.index_cast %parallel_loop3A_400 : i32 to index
      %parallel_loop3A_406 = arith.index_cast %parallel_loop3A_402 : i32 to index
      %parallel_loop3A_407 = tpu.vector_load %arg6[%parallel_loop3A_405, %parallel_loop3A_406] {strides = array<i32>} : memref<8x1024xi32, #tpu.memory_space<vmem>>, vector<16xi32>,
      %parallel_loop3A_408 = arith.constant 0 : i32
      %parallel_loop3A_409 = tpu.memref_slice %arg5[%parallel_loop3A_408] : memref<81920xf32, #tpu.memory_space<vmem>> -> memref<16384xf32, #tpu.memory_space<vmem>>
      %parallel_loop3A_410 = tpu.vector_load_idx %parallel_loop3A_409[%parallel_loop3A_407] : memref<16384xf32, #tpu.memory_space<vmem>>[vector<16xi32>], vector<16xf32>,
      %parallel_loop3A_411 = arith.addf %parallel_loop3A_404, %parallel_loop3A_410 : vector<16xf32>
      %parallel_loop3A_412 = arith.index_cast %parallel_loop3A_400 : i32 to index
      %parallel_loop3A_413 = arith.index_cast %parallel_loop3A_402 : i32 to index
      %parallel_loop3A_414 = tpu.vector_load %arg7[%parallel_loop3A_412, %parallel_loop3A_413] {strides = array<i32>} : memref<8x1024xi32, #tpu.memory_space<vmem>>, vector<16xi32>,
      %parallel_loop3A_415 = arith.constant 16384 : i32
      %parallel_loop3A_416 = tpu.memref_slice %arg5[%parallel_loop3A_415] : memref<81920xf32, #tpu.memory_space<vmem>> -> memref<16384xf32, #tpu.memory_space<vmem>>
      %parallel_loop3A_417 = tpu.vector_load_idx %parallel_loop3A_416[%parallel_loop3A_414] : memref<16384xf32, #tpu.memory_space<vmem>>[vector<16xi32>], vector<16xf32>,
      %parallel_loop3A_418 = arith.addf %parallel_loop3A_411, %parallel_loop3A_417 : vector<16xf32>
      %parallel_loop3A_419 = arith.index_cast %parallel_loop3A_400 : i32 to index
      %parallel_loop3A_420 = arith.index_cast %parallel_loop3A_402 : i32 to index
      %parallel_loop3A_421 = tpu.vector_load %arg8[%parallel_loop3A_419, %parallel_loop3A_420] {strides = array<i32>} : memref<8x1024xi32, #tpu.memory_space<vmem>>, vector<16xi32>,
      %parallel_loop3A_422 = arith.constant 32768 : i32
      %parallel_loop3A_423 = tpu.memref_slice %arg5[%parallel_loop3A_422] : memref<81920xf32, #tpu.memory_space<vmem>> -> memref<16384xf32, #tpu.memory_space<vmem>>
      %parallel_loop3A_424 = tpu.vector_load_idx %parallel_loop3A_423[%parallel_loop3A_421] : memref<16384xf32, #tpu.memory_space<vmem>>[vector<16xi32>], vector<16xf32>,
      %parallel_loop3A_425 = arith.addf %parallel_loop3A_418, %parallel_loop3A_424 : vector<16xf32>
      %parallel_loop3A_426 = arith.index_cast %parallel_loop3A_400 : i32 to index
      %parallel_loop3A_427 = arith.index_cast %parallel_loop3A_402 : i32 to index
      %parallel_loop3A_428 = tpu.vector_load %arg9[%parallel_loop3A_426, %parallel_loop3A_427] {strides = array<i32>} : memref<8x1024xi32, #tpu.memory_space<vmem>>, vector<16xi32>,
      %parallel_loop3A_429 = arith.constant 49152 : i32
      %parallel_loop3A_430 = tpu.memref_slice %arg5[%parallel_loop3A_429] : memref<81920xf32, #tpu.memory_space<vmem>> -> memref<16384xf32, #tpu.memory_space<vmem>>
      %parallel_loop3A_431 = tpu.vector_load_idx %parallel_loop3A_430[%parallel_loop3A_428] : memref<16384xf32, #tpu.memory_space<vmem>>[vector<16xi32>], vector<16xf32>,
      %parallel_loop3A_432 = arith.addf %parallel_loop3A_425, %parallel_loop3A_431 : vector<16xf32>
      %parallel_loop3A_433 = arith.index_cast %parallel_loop3A_400 : i32 to index
      %parallel_loop3A_434 = arith.index_cast %parallel_loop3A_402 : i32 to index
      %parallel_loop3A_435 = tpu.vector_load %arg10[%parallel_loop3A_433, %parallel_loop3A_434] {strides = array<i32>} : memref<8x1024xi32, #tpu.memory_space<vmem>>, vector<16xi32>,
      %parallel_loop3A_436 = arith.constant 65536 : i32
      %parallel_loop3A_437 = tpu.memref_slice %arg5[%parallel_loop3A_436] : memref<81920xf32, #tpu.memory_space<vmem>> -> memref<16384xf32, #tpu.memory_space<vmem>>
      %parallel_loop3A_438 = tpu.vector_load_idx %parallel_loop3A_437[%parallel_loop3A_435] : memref<16384xf32, #tpu.memory_space<vmem>>[vector<16xi32>], vector<16xf32>,
      %parallel_loop3A_439 = arith.addf %parallel_loop3A_432, %parallel_loop3A_438 : vector<16xf32>
      %parallel_loop3A_440 = arith.index_cast %parallel_loop3A_400 : i32 to index
      %parallel_loop3A_441 = arith.index_cast %parallel_loop3A_402 : i32 to index
      %parallel_loop3A_442 = tpu.vector_load %arg11[%parallel_loop3A_440, %parallel_loop3A_441] {strides = array<i32>} : memref<8x1024xf32, #tpu.memory_space<vmem>>, vector<16xf32>,
      tpu.vector_store %arg11[%parallel_loop3A_440, %parallel_loop3A_441], %parallel_loop3A_439 {strides = array<i32>} : memref<8x1024xf32, #tpu.memory_space<vmem>>, vector<16xf32>,
    } {sc.loop_unroll_factor = 8 : i64, sc.parallel_access}
    %add3A_384 = arith.constant 24 : i32
    %add3A_385 = arith.addi %mul3A_2, %add3A_384 : i32
    %dma_start3A_386 = arith.constant 0 : i32
    %dma_start3A_387 = tpu.memref_slice %arg4[%add3A_385, %dma_start3A_386] : memref<1024x1024xf32, #tpu.memory_space<hbm>> -> memref<8x1024xf32, #tpu.memory_space<hbm>>
    %dma_start3A_388 = arith.constant 0 : i32
    %dma_start3A_389 = tpu.memref_slice %arg4[%add3A_385, %dma_start3A_388] : memref<1024x1024xf32, #tpu.memory_space<hbm>> -> memref<8x1024xf32, #tpu.memory_space<hbm>>
    tpu.enqueue_dma source(%arg11 : memref<8x1024xf32, #tpu.memory_space<vmem>>) target(%dma_start3A_389 : memref<8x1024xf32, #tpu.memory_space<hbm>>) target_semaphore(%arg14 : memref<!tpu.dma_semaphore, #tpu.memory_space<semaphore_mem>>)
    %add3A_390 = arith.constant 0 : i32
    %add3A_391 = arith.addi %mul3A_2, %add3A_390 : i32
    %dma_wait3A_392 = arith.constant 0 : i32
    %dma_wait3A_393 = tpu.memref_slice %arg4[%add3A_391, %dma_wait3A_392] : memref<1024x1024xf32, #tpu.memory_space<hbm>> -> memref<8x1024xf32, #tpu.memory_space<hbm>>
    %dma_wait3A_394 = arith.constant 0 : i32
    %dma_wait3A_395 = tpu.memref_slice %arg4[%add3A_391, %dma_wait3A_394] : memref<1024x1024xf32, #tpu.memory_space<hbm>> -> memref<8x1024xf32, #tpu.memory_space<hbm>>
    tpu.wait_dma2 semaphore(%arg14 : memref<!tpu.dma_semaphore, #tpu.memory_space<semaphore_mem>>) src(%dma_wait3A_395 : memref<8x1024xf32, #tpu.memory_space<hbm>>) dst(%arg11 : memref<8x1024xf32, #tpu.memory_space<vmem>>)
    return
  }
}

module attributes {stable_mosaic.version = 14 : i64} {
  func.func @_tc_table_body(%arg0: memref<8x16xf32, #tpu.memory_space<vmem>>, %arg1: memref<16x16384xf32, #tpu.memory_space<vmem>>, %arg2: memref<8x16384xf32, #tpu.memory_space<vmem>>) attributes {dimension_semantics = [], scalar_prefetch = 0 : i64, scratch_operands = 0 : i64, tpu.core_type = #tpu.core_type<tc>} {
    %get3A = arith.constant 0 : index
    %get3A_0 = arith.constant 0 : index
    %get3A_1 = vector.load %arg0[%get3A, %get3A_0] : memref<8x16xf32, #tpu.memory_space<vmem>>, vector<8x16xf32>
    %get3A_2 = arith.constant 0 : index
    %get3A_3 = arith.constant 0 : index
    %get3A_4 = vector.load %arg1[%get3A_2, %get3A_3] : memref<16x16384xf32, #tpu.memory_space<vmem>>, vector<16x16384xf32>
    %dot_general3A = arith.constant dense<0.000000e+00> : vector<8x16384xf32>
    %dot_general3A_5 = tpu.matmul %get3A_1, %get3A_4, %dot_general3A {dimension_numbers = #tpu.dot_dimension_numbers<[1], [0], [0], [1], [0, 0, 1, 1], [], []>, transpose_lhs_hint = false} : vector<8x16xf32>, vector<16x16384xf32>, vector<8x16384xf32> -> vector<8x16384xf32>
    %mul3A = arith.constant 2.000000e-01 : f32
    %mul3A_6 = vector.broadcast %mul3A : f32 to vector<8x16384xf32>
    %mul3A_7 = arith.mulf %dot_general3A_5, %mul3A_6 : vector<8x16384xf32>
    %swap3A = arith.constant 0 : index
    %swap3A_8 = arith.constant 0 : index
    %swap3A_9 = vector.load %arg2[%swap3A, %swap3A_8] : memref<8x16384xf32, #tpu.memory_space<vmem>>, vector<8x16384xf32>
    tpu.vector_store %arg2[%swap3A, %swap3A_8], %mul3A_7 {strides = array<i32>} : memref<8x16384xf32, #tpu.memory_space<vmem>>, vector<8x16384xf32>,
    return
  }
}

</mosaic_0001>

<sc_bundles>
// kernel: kernel.4.cloned.1.call-start
scs
__scs_entry_jumppad:
0x0: {  	(pc) =	sbr.rel $0x88, $3  }
0x1: {  	(tag) =	ssettag $0x0;
	lr =	simm.s32 $0x1  }
0x2: {  	[smem:$0x3F9E] =	sst lr;
	_ =	strace $0xD0000000  }
0x3: {  	_ = 	snop  }
0x4: {  	_ = 	snop  }
0x5: {  	_ = 	snop  }
0x6: {  	_ = 	snop  }
0x7: {  	_ = 	snop  }
__scs_overlays_trampoline_lowered:
0x8: {  	[smem:$0x3FAD] =	sst s0  }
0x9: {  	[smem:$0x3FAE] =	sst s1  }
0xa: {  	[smem:$0x3FAF] =	sst s2  }
0xb: {  	[smem:$0x3FB0] =	sst s3  }
0xc: {  	[smem:$0x3FB1] =	sst s4  }
0xd: {  	[smem:$0x3FB2] =	sst s5  }
0xe: {  	[smem:$0x3FB3] =	sst s6  }
0xf: {  	[smem:$0x3FB4] =	sst s7  }
0x10: {  	[smem:$0x3FB5] =	sst s8  }
0x11: {  	[smem:$0x3FB6] =	sst s9;
	s0 =	simm.s32 @!p0 $0x0  }
0x12: {  	s1 =	sld [smem:$0x3F9C];
	s0 =	simm.s32 @p0 $0x1  }
0x13: {  	[smem:$0x3FB7] =	sst s0;
	s0 =	simm.s32 @!p1 $0x0  }
0x14: {  	s2 =	sld [smem:$0x3F9B];
	s0 =	simm.s32 @p1 $0x1  }
0x15: {  	[smem:$0x3FB8] =	sst s0;
	s0 =	simm.s32 @!p2 $0x0  }
0x16: {  	s3 =	sld [smem:$0x3FDB];
	s0 =	simm.s32 @p2 $0x1  }
0x17: {  	s4 =	simm.s32 $0x1BF5;
	[smem:$0x3FBA] =	sst s0  }
0x18: {  	s0 =	sld [smem:$0x3F9D];
	_ =	swait.ge [sflag:s4], $0x0  }
0x19: {  	s7 =	sld [smem:$0x3F9E]  }
0x1a: {  	s8 =	sadd.s32 $0xFFFFE003, lr  }
0x1b: {  	s9 =	sadd.s32 $0xFFFFFEF7, lr;
	s5 =	simm.s32 $0xFFFFFFFF;
	p2 =	slt.u32 s8, $0xFFFFF086  }
0x1c: {  	p1 =	slt.u32 s9, $0xF7A;
	s5 =	simm.s32 @!p2 $0x0  }
0x1d: {  	s5 =	simm.s32 @p1 $0x1;
	p0 =	seq.s32 s7, s2  }
0x1e: {  	s7 =	smul.u32 @!p0 $0xF7A, s2;
	p2 =	seq.s32 @!p0 s5, $0x0  }
0x1f: {  	s9 =	smul.u32 $0xF7A, s1;
	s8 =	simm.s32 @!p0 $0x1BF5;
	p2 =	por !p2, p0  }
0x20: {  	[sflag:s8] =	ssyncset.s32 @!p0 $0xFFFFF086;
	s6 =	sadd.s32 @!p0 s3, s7;
	s7 =	simm.s32 @!p0 $0x108  }
0x21: {  	s3 =	sadd.s32 s3, s9;
	s6 =	sadd.s32 @!p0 $0x88, s6;
	s7 =	simm.s32 @p2 $0x1082  }
0x22: {  	[simem:s7], [sflag:s8] =	dma.local @!p0 [hbm:s6], $0xF7A  }
0x23: {  	s9 =	sor.u32 $0xD0000000, s2;
	s6 =	simm.s32 $0x108;
	_ =	swait.ge @!p0 [sflag:s8], $0x0  }
0x24: {  	s3 =	sadd.s32 $0x88, s3;
	s6 =	simm.s32 @!p1 $0x1082;
	[sflag:s4] =	ssyncset.s32 $0xFFFFF086  }
0x25: {  	[simem:s6], [sflag:s4] =	dma.local [hbm:s3], $0xF7A  }
0x26: {  	[smem:$0x3F9E] =	sst s1;
	(tag) =	ssettag s2;
	_ =	strace s9  }
0x27: {  	s1 =	sld [smem:$0x3FAE]  }
0x28: {  	s2 =	sld [smem:$0x3FAF]  }
0x29: {  	s4 =	sld [smem:$0x3FB1]  }
0x2a: {  	p0 =	seq.s32 s5, $0x0;
	s5 =	sld [smem:$0x3FB2]  }
0x2b: {  	s6 =	sld [smem:$0x3FB3]  }
0x2c: {  	s7 =	sld [smem:$0x3FB4]  }
0x2d: {  	s3 =	simm.s32 $0x108;
	s8 =	sld [smem:$0x3FB5]  }
0x2e: {  	s3 =	simm.s32 @!p0 $0x1082;
	s9 =	sld [smem:$0x3FB6]  }
0x2f: {  	lr =	sadd.s32 s0, s3;
	s0 =	sld [smem:$0x3FAD]  }
0x30: {  	s3 =	sld [smem:$0x3FB0]  }
0x31: {  	[smem:$0x3FB9] =	sst s10  }
0x32: {  	s10 =	sld [smem:$0x3FB7];
	_ =	sdelay $0x3  }
0x33: {  	p0 =	seq.s32 s10, $0x1;
	s10 =	sld [smem:$0x3FB9];
	_ =	sdelay $0x3  }
0x34: {  	[smem:$0x3FB9] =	sst s10  }
0x35: {  	s10 =	sld [smem:$0x3FB8];
	_ =	sdelay $0x3  }
0x36: {  	p1 =	seq.s32 s10, $0x1;
	s10 =	sld [smem:$0x3FB9];
	_ =	sdelay $0x3  }
0x37: {  	[smem:$0x3FB9] =	sst s10  }
0x38: {  	s10 =	sld [smem:$0x3FBA]  }
0x39: {  	_ = 	snop;
	(pc) =	sbr.ind lr, $3  }
0x3a: {  	_ = 	snop  }
0x3b: {  	_ = 	snop  }
0x3c: {  	p2 =	seq.s32 s10, $0x1;
	s10 =	sld [smem:$0x3FB9]  }
0x3d: {  	_ =	shalt  }
0x3e: {  	_ =	shalt  }
0x3f: {  	_ =	shalt  }
0x40: {  	_ =	shalt  }
0x41: {  	_ =	shalt  }
0x42: {  	_ =	shalt  }
0x43: {  	_ =	shalt  }
0x44: {  	_ =	shalt  }
0x45: {  	_ =	shalt  }
0x46: {  	_ =	shalt  }
0x47: {  	_ =	shalt  }
0x48: {  	_ =	shalt  }
0x49: {  	_ =	shalt  }
0x4a: {  	_ =	shalt  }
0x4b: {  	_ =	shalt  }
0x4c: {  	_ =	shalt  }
0x4d: {  	_ =	shalt  }
0x4e: {  	_ =	shalt  }
0x4f: {  	_ =	shalt  }
0x50: {  	_ =	shalt  }
0x51: {  	_ =	shalt  }
0x52: {  	_ =	shalt  }
0x53: {  	_ =	shalt  }
0x54: {  	_ =	shalt  }
0x55: {  	_ =	shalt  }
0x56: {  	_ =	shalt  }
0x57: {  	_ =	shalt  }
0x58: {  	_ =	shalt  }
0x59: {  	_ =	shalt  }
0x5a: {  	_ =	shalt  }
0x5b: {  	_ =	shalt  }
0x5c: {  	_ =	shalt  }
0x5d: {  	_ =	shalt  }
0x5e: {  	_ =	shalt  }
0x5f: {  	_ =	shalt  }
0x60: {  	_ =	shalt  }
0x61: {  	_ =	shalt  }
0x62: {  	_ =	shalt  }
0x63: {  	_ =	shalt  }
0x64: {  	_ =	shalt  }
0x65: {  	_ =	shalt  }
0x66: {  	_ =	shalt  }
0x67: {  	_ =	shalt  }
0x68: {  	_ =	shalt  }
0x69: {  	_ =	shalt  }
0x6a: {  	_ =	shalt  }
0x6b: {  	_ =	shalt  }
0x6c: {  	_ =	shalt  }
0x6d: {  	_ =	shalt  }
0x6e: {  	_ =	shalt  }
0x6f: {  	_ =	shalt  }
0x70: {  	_ =	shalt  }
0x71: {  	_ =	shalt  }
0x72: {  	_ =	shalt  }
0x73: {  	_ =	shalt  }
0x74: {  	_ =	shalt  }
0x75: {  	_ =	shalt  }
0x76: {  	_ =	shalt  }
0x77: {  	_ =	shalt  }
0x78: {  	_ =	shalt  }
0x79: {  	_ =	shalt  }
0x7a: {  	_ =	shalt  }
0x7b: {  	_ =	shalt  }
0x7c: {  	_ =	shalt  }
0x7d: {  	_ =	shalt  }
0x7e: {  	_ =	shalt  }
0x7f: {  	_ =	shalt  }
0x80: {  	_ =	shalt  }
0x81: {  	_ =	shalt  }
0x82: {  	_ =	shalt  }
0x83: {  	_ =	shalt  }
0x84: {  	_ =	shalt  }
0x85: {  	_ =	shalt  }
0x86: {  	_ =	shalt  }
0x87: {  	_ =	shalt  }
.Lfunc_end0:
.L_simem_size_0:
called_computation_lowered:
.L_overlay_start_0:
0x88: {  	s2 =	sld [smem:$0x3FD9]  }
0x89: {  	s3 =	sld [smem:$0x3FFE];
	_ =	sdelay $0x1  }
0x8a: {  	s1 =	srdreg.scid  }
0x8b: {  	s0 =	sand.u32 $0x1, s1  }
0x8c: {  	s17 =	sshll.u32 s0, $0xA;
	s2 =	sadd.s32 s3, s2  }
0x8d: {  	s2 =	sadd.s32 s2, s17  }
0x8e: {  	[smem:$0x3FC5] =	sst s2  }
0x8f: {  	_ = 	snop  }
0x90: {  	s2 =	sld [smem:$0x3FC8]  }
0x91: {  	s18 =	sld [smem:$0x3FD0];
	(tm) =	ssettm $0x1  }
0x92: {  	s4 =	sld [smem:$0x3FFB];
	_ =	sdelay $0x3  }
0x93: {  	_ =	strace s4  }
0x94: {  	s4 =	sld [smem:$0x3FFC];
	_ =	sdelay $0x3  }
0x95: {  	_ =	strace s4  }
0x96: {  	s4 =	sld [smem:$0x3FFD];
	_ =	sdelay $0x3  }
0x97: {  	_ =	strace s4  }
0x98: {  	_ =	strace $0x8FFFFFFF  }
0x99: {  	s19 =	sld [smem:$0x3FDB];
	_ =	sdelay $0x1  }
0x9a: {  	s5 =	simm.s32 $_scs_section_size  }
0x9b: {  	s6 =	simm.s32 $_size__tile_overlayer_lowered;
	s7 =	simm.s32 $_tile_overlayer_lowered  }
0x9c: {  	s22 =	simm.s32 $0x1BFF;
	s21 =	sshll.u32 s7, $0x1;
	s4 =	sadd.s32 s5, s19  }
0x9d: {  	s8 =	simm.s32 $0x0;
	s20 =	sshll.u32 s6, $0x1;
	s6 =	sadd.s32 s21, s4  }
0x9e: {  	[timem:s8], [sflag:s22] =	dma.local [hbm:s6], s20  }
0x9f: {  	_ =	swait.ge [sflag:s22], s20  }
0xa0: {  	s5 =	ssub.s32 $0x0, s20;
	[sflag:s22] =	ssyncset.done $0x0  }
0xa1: {  	[sflag:s22] =	ssyncadd.s32 s5;
	_ =	sdelay $0x1  }
0xa2: {  	s23 =	simm.s32 $0x1B8B  }
0xa3: {  	_ =	swait.ge [sflag:s23], $0x1  }
0xa4: {  	[sflag:s23] =	ssyncset.done $0x0  }
0xa5: {  	s25 =	simm.s32 $0x1B8E;
	s24 =	sld [smem:$0x3FFE];
	[sflag:s23] =	ssyncadd.s32 $0xFFFFFFFF  }
0xa6: {  	s26 =	simm.s32 $execute0_lowered;
	[smem:$0x3FD2] =	sst s25  }
0xa7: {  	s6 =	sshll.u32 s26, $0x1;
	_ =	strace $0x80000046;
	[dreg:$0x1] =	wrdreg $0xFFFFFFFF  }
0xa8: {  	s28 =	simm.s32 $_size_execute0_lowered;
	s4 =	sadd.s32 s4, s6;
	[dreg:$0x0] =	wrdreg $0x0  }
0xa9: {  	s6 =	sshll.u32 s28, $0x1;
	[dreg:$0x2] =	wrdreg s4  }
0xaa: {  	[dreg:$0x3] =	wrdreg s6  }
0xab: {  	[dreg:$0x4] =	wrdreg $0xC0  }
0xac: {  	_ =	task [dreg:s8], $0x5FFFF  }
0xad: {  	[dreg:$0x1] =	wrdreg $0xFFFFFFFF  }
0xae: {  	[dreg:$0x0] =	wrdreg $0x60  }
0xaf: {  	[dreg:$0x2] =	wrdreg s24  }
0xb0: {  	[dreg:$0x3] =	wrdreg s2  }
0xb1: {  	[dreg:$0x4] =	wrdreg s18  }
0xb2: {  	[dreg:$0x5] =	wrdreg $0x9  }
0xb3: {  	_ =	task.clear_ibuf [dreg:s8], $0x6FFFF;
	_ =	strace $0x90000046  }
0xb4: {  	s29 =	simm.s32 $0x9;
	_ =	strace $0x80000048  }
0xb5: {  	_ =	swait.ge [sflag:s29], $0x1  }
0xb6: {  	[sflag:s29] =	ssyncadd.s32 $0xFFFFFFFF  }
0xb7: {  	_ =	strace $0x90000048  }
0xb8: {  	_ =	sfence  }
0xb9: {  	s30 =	sld [smem:$0x0];
	_ =	sdelay $0x2  }
0xba: {  	s31 =	sshll.u32 s1, $0xD;
	s1 =	sshrl.u32 s1, $0x2  }
0xbb: {  	s3 =	sand.u32 $0x4000, s31;
	s1 =	sadd.s32 s1, s30  }
0xbc: {  	s0 =	sor.u32 s3, s0;
	s1 =	sshll.u32 s1, $0x11  }
0xbd: {  	s0 =	sor.u32 s1, s0  }
0xbe: {  	s0 =	sadd.s32 $0x8F2B, s0  }
0xbf: {  	[sflag:s0] =	ssyncadd.remote.s32 $0x1  }
0xc0: {  	_ =	sfence.sel $0xFFFF  }
0xc1: {  	[dreg:$0x0] =	wrdreg $0xFFFFFFFF;
	(pc) =	sbr.abs _section_cstart, $3  }
0xc2: {  	[dreg:$0x1] =	wrdreg $0xFFFFFFFF  }
0xc3: {  	_ =	task.clear_ibuf [dreg:s8], $0x2FFFF;
	_ =	strace $0x9FFFFFFF  }
0xc4: {  	(tm) =	ssettm $0x7FFFFFFF  }
0xc5: {  	_ =	shalt  }
tec
execute0_lowered:
.L_overlay_start_1:
0x0: {  	(tag) =	ssettag $0x1  }
0x1: {  	s0 =	rddreg [dreg:$0x0]  }
0x2: {  	s1 =	rddreg [dreg:$0x1]  }
0x3: {  	s3 =	rddreg [dreg:$0x2];
	s4 =	srdreg.scid;
	s2 =	simm.s32 $0x0  }
0x4: {  	s5 =	stileid.u32;
	s4 =	sand.u32 $0x1, s4;
	[smem:$0x7FF] =	sst s2  }
0x5: {  	s5 =	sshll.u32 s5, $0xD;
	s0 =	sadd.s32 $0x600, s0;
	s6 =	sshll.u32 s4, $0xC  }
0x6: {  	_ =	strace $0x80000047;
	s7 =	ssub.s32 $0x2, s4;
	s5 =	sor.u32 s6, s5  }
0x7: {  	[dreg:$0x4] =	wrdreg s0;
	s4 =	sadd.s32 s1, s5;
	s16 =	sadd.s32 s3, s5  }
0x8: {  	s11 =	sadd.s32 $0x20000, s4;
	[dreg:$0x9] =	wrdreg s16  }
0x9: {  	s12 =	sadd.s32 $0x40000, s4;
	[dreg:$0x5] =	wrdreg s11  }
0xa: {  	s30 =	simm.s32 $0x14000;
	s13 =	sadd.s32 $0x60000, s4;
	[dreg:$0x6] =	wrdreg s12  }
0xb: {  	s15 =	sor.u32 $0x400, s5;
	s14 =	sadd.s32 $0x80000, s4;
	[dreg:$0x7] =	wrdreg s13  }
0xc: {  	s31 =	simm.s32 $0x16000;
	s17 =	sadd.s32 s1, s15;
	[dreg:$0x8] =	wrdreg s14  }
0xd: {  	s9 =	simm.s32 $0xC000;
	s18 =	sadd.s32 $0x20400, s4;
	[dreg:$0xa] =	wrdreg s17  }
0xe: {  	s10 =	sshrl.u32 s7, $0x1;
	s19 =	sadd.s32 $0x40400, s4;
	[dreg:$0xb] =	wrdreg s18  }
0xf: {  	s0 =	ssub.s32 s7, s10;
	s20 =	sadd.s32 $0x60400, s4;
	[dreg:$0xc] =	wrdreg s19  }
0x10: {  	s21 =	sor.u32 $0x800, s5;
	s8 =	sadd.s32 $0x80400, s4;
	[dreg:$0xd] =	wrdreg s20  }
0x11: {  	s5 =	sor.u32 $0xC00, s5;
	s6 =	sadd.s32 s3, s15;
	[dreg:$0xe] =	wrdreg s8  }
0x12: {  	s7 =	simm.s32 $0x4000;
	s22 =	sadd.s32 s1, s21;
	[dreg:$0xf] =	wrdreg s6  }
0x13: {  	s10 =	simm.s32 $0x10000;
	s23 =	sadd.s32 $0x20800, s4;
	[dreg:$0x10] =	wrdreg s22  }
0x14: {  	s24 =	sadd.s32 $0x40800, s4;
	s25 =	sadd.s32 $0x60800, s4;
	[dreg:$0x11] =	wrdreg s23  }
0x15: {  	s26 =	sadd.s32 $0x80800, s4;
	s21 =	sadd.s32 s3, s21;
	[dreg:$0x12] =	wrdreg s24  }
0x16: {  	s28 =	sadd.s32 $0x60C00, s4;
	s29 =	sadd.s32 $0x80C00, s4;
	[dreg:$0x13] =	wrdreg s25  }
0x17: {  	[dreg:$0x14] =	wrdreg s26;
	s22 =	sadd.s32 s1, s5;
	s23 =	sadd.s32 s3, s5  }
0x18: {  	s24 =	sadd.s32 $0x20C00, s4;
	s25 =	smax.u32 s0, $0x1;
	s26 =	sadd.s32 $0x40C00, s4  }
0x19: {  	s0 =	simm.s32 $0x18000;
	s1 =	simm.s32 $0x1A000;
	s3 =	simm.s32 $0x1C000  }
0x1a: {  	s5 =	simm.s32 $0x1;
	s6 =	simm.s32 $0x2;
	s8 =	simm.s32 $0x8000  }
0x1b: {  	s11 =	simm.s32 $0x1E000;
	s12 =	simm.s32 $0x3;
	s13 =	simm.s32 $0x0  }
.LBB2_1:
0x1c: {  	s14 =	rddreg [dreg:$0x4]  }
0x1d: {  	[tilespmem:s2], [sflag:$0x1] =	stream.linear.gather [hbm4b:s14+s2], $0x14000, $0x38;
	v63 =	vld [tilespmem:$0x0]  }
0x1e: {  	_ = 	snop  }
0x1f: {  	[tilespmem:s30], [sflag:$0x2] =	stream.linear.gather [hbm4b:s4+s2], $0x2000, $0x38;
	v63 =	vld [tilespmem:$0x0]  }
0x20: {  	s16 =	rddreg [dreg:$0x5]  }
0x21: {  	[tilespmem:s31], [sflag:$0x2] =	stream.linear.gather [hbm4b:s16+s2], $0x2000, $0x38;
	v63 =	vld [tilespmem:$0x0]  }
0x22: {  	s17 =	rddreg [dreg:$0x6]  }
0x23: {  	[tilespmem:s0], [sflag:$0x2] =	stream.linear.gather [hbm4b:s17+s2], $0x2000, $0x38;
	v63 =	vld [tilespmem:$0x0]  }
0x24: {  	s18 =	rddreg [dreg:$0x7]  }
0x25: {  	[tilespmem:s1], [sflag:$0x2] =	stream.linear.gather [hbm4b:s18+s2], $0x2000, $0x38;
	v63 =	vld [tilespmem:$0x0]  }
0x26: {  	s19 =	rddreg [dreg:$0x8]  }
0x27: {  	[tilespmem:s3], [sflag:$0x2] =	stream.linear.gather [hbm4b:s19+s2], $0x2000, $0x38;
	v63 =	vld [tilespmem:$0x0]  }
0x28: {  	_ =	swait.ge [sflag:s5], $0x14000  }
0x29: {  	[sflag:s5] =	ssyncset.done $0x0  }
0x2a: {  	[sflag:s5] =	ssyncadd.s32 $0xFFFEC000  }
0x2b: {  	_ =	swait.ge [sflag:s6], $0x2000  }
0x2c: {  	[sflag:s6] =	ssyncset.done $0x0  }
0x2d: {  	[sflag:s6] =	ssyncadd.s32 $0xFFFFE000  }
0x2e: {  	_ =	swait.ge [sflag:s6], $0x2000  }
0x2f: {  	[sflag:s6] =	ssyncset.done $0x0  }
0x30: {  	[sflag:s6] =	ssyncadd.s32 $0xFFFFE000  }
0x31: {  	_ =	swait.ge [sflag:s6], $0x2000  }
0x32: {  	[sflag:s6] =	ssyncset.done $0x0  }
0x33: {  	[sflag:s6] =	ssyncadd.s32 $0xFFFFE000  }
0x34: {  	_ =	swait.ge [sflag:s6], $0x2000  }
0x35: {  	[sflag:s6] =	ssyncset.done $0x0  }
0x36: {  	[sflag:s6] =	ssyncadd.s32 $0xFFFFE000  }
0x37: {  	s20 =	sand.u32 $0x1C00, s2;
	_ =	swait.ge [sflag:s6], $0x2000  }
0x38: {  	s15 =	sor.u32 s20, s2;
	[sflag:s6] =	ssyncset.done $0x0  }
0x39: {  	s16 =	sor.u32 $0x70, s15;
	s17 =	sand.u32 $0x380, s2;
	[sflag:s6] =	ssyncadd.s32 $0xFFFFE000  }
0x3a: {  	s14 =	sor.u32 s17, s20;
	v0 =	vld [tilespmem:s16+$0x14000]  }
0x3b: {  	v1 =	vld [tilespmem:s14+$0x14000]  }
0x3c: {  	v2 =	vld [tilespmem:s16+$0x16000]  }
0x3d: {  	v3 =	vld [tilespmem:s14+$0x14010]  }
0x3e: {  	v4 =	vld [tilespmem:s16+$0x18000]  }
0x3f: {  	v5 =	vld [tilespmem:s14+$0x14020]  }
0x40: {  	v6 =	vld [tilespmem:s16+$0x1A000]  }
0x41: {  	v7 =	vld [tilespmem:s16+$0x1C000]  }
0x42: {  	v8 =	vld [tilespmem:s14+$0x14030]  }
0x43: {  	v10 =	vld [tilespmem:s14+$0x14050]  }
0x44: {  	v11 =	vld [tilespmem:s14+$0x14060]  }
0x45: {  	v12 =	vld [tilespmem:s14+$0x16000]  }
0x46: {  	v13 =	vld [tilespmem:s14+$0x16010]  }
0x47: {  	v14 =	vld [tilespmem:s14+$0x16020]  }
0x48: {  	v15 =	vld [tilespmem:s14+$0x16030]  }
0x49: {  	v16 =	vld [tilespmem:s14+$0x16040]  }
0x4a: {  	v17 =	vld [tilespmem:s14+$0x16050]  }
0x4b: {  	v18 =	vld [tilespmem:s14+$0x16060]  }
0x4c: {  	v19 =	vld [tilespmem:s14+$0x18000]  }
0x4d: {  	v20 =	vld [tilespmem:s14+$0x18010]  }
0x4e: {  	v21 =	vld [tilespmem:s14+$0x18020]  }
0x4f: {  	v22 =	vld [tilespmem:s14+$0x18030]  }
0x50: {  	v23 =	vld [tilespmem:s14+$0x18040]  }
0x51: {  	v24 =	vld [tilespmem:s14+$0x18050]  }
0x52: {  	v25 =	vld [tilespmem:s14+$0x18060]  }
0x53: {  	v28 =	vld [tilespmem:s14+$0x1A000]  }
0x54: {  	v29 =	vld [tilespmem:s14+$0x1A010]  }
0x55: {  	v30 =	vld [tilespmem:s14+$0x1A020]  }
0x56: {  	v31 =	vld [tilespmem:s14+$0x1A030]  }
0x57: {  	v32 =	vld [tilespmem:s14+$0x1A040]  }
0x58: {  	v33 =	vld [tilespmem:s14+$0x1A050]  }
0x59: {  	v34 =	vld [tilespmem:s14+$0x1A060]  }
0x5a: {  	v35 =	vld [tilespmem:s14+$0x1C000]  }
0x5b: {  	v36 =	vld [tilespmem:s14+$0x1C010]  }
0x5c: {  	v37 =	vld [tilespmem:s14+$0x1C020]  }
0x5d: {  	v38 =	vld [tilespmem:s14+$0x1C030]  }
0x5e: {  	v0 =	vld.idx.msk [tilespmem:v0+s2+$0x0], $0xffff  }
0x5f: {  	v9 =	vld.idx.msk [tilespmem:v2+s7+$0x0], $0xffff  }
0x60: {  	v2 =	vld [tilespmem:s14+$0x14040]  }
0x61: {  	v4 =	vld.idx.msk [tilespmem:v4+s8+$0x0], $0xffff  }
0x62: {  	v6 =	vld.idx.msk [tilespmem:v6+s9+$0x0], $0xffff  }
0x63: {  	v7 =	vld.idx.msk [tilespmem:v7+s10+$0x0], $0xffff  }
0x64: {  	v26 =	vld.idx.msk [tilespmem:v1+s2+$0x0], $0xffff  }
0x65: {  	v3 =	vld.idx.msk [tilespmem:v3+s2+$0x0], $0xffff  }
0x66: {  	v5 =	vld.idx.msk [tilespmem:v5+s2+$0x0], $0xffff  }
0x67: {  	v8 =	vld.idx.msk [tilespmem:v8+s2+$0x0], $0xffff  }
0x68: {  	v10 =	vld.idx.msk [tilespmem:v10+s2+$0x0], $0xffff  }
0x69: {  	v11 =	vld.idx.msk [tilespmem:v11+s2+$0x0], $0xffff  }
0x6a: {  	v12 =	vld.idx.msk [tilespmem:v12+s7+$0x0], $0xffff  }
0x6b: {  	v13 =	vld.idx.msk [tilespmem:v13+s7+$0x0], $0xffff  }
0x6c: {  	v14 =	vld.idx.msk [tilespmem:v14+s7+$0x0], $0xffff  }
0x6d: {  	v15 =	vld.idx.msk [tilespmem:v15+s7+$0x0], $0xffff  }
0x6e: {  	v16 =	vld.idx.msk [tilespmem:v16+s7+$0x0], $0xffff  }
0x6f: {  	v17 =	vld.idx.msk [tilespmem:v17+s7+$0x0], $0xffff  }
0x70: {  	v18 =	vld.idx.msk [tilespmem:v18+s7+$0x0], $0xffff  }
0x71: {  	v1 =	vld [tilespmem:s14+$0x1C050]  }
0x72: {  	v19 =	vld.idx.msk [tilespmem:v19+s8+$0x0], $0xffff  }
0x73: {  	v20 =	vld.idx.msk [tilespmem:v20+s8+$0x0], $0xffff  }
0x74: {  	v55 =	vld.idx.msk [tilespmem:v22+s8+$0x0], $0xffff  }
0x75: {  	v56 =	vld.idx.msk [tilespmem:v23+s8+$0x0], $0xffff;
	v39 =	vadd.f32 $0.0e+00, v0  }
0x76: {  	v57 =	vld.idx.msk [tilespmem:v24+s8+$0x0], $0xffff  }
0x77: {  	v59 =	vld.idx.msk [tilespmem:v30+s9+$0x0], $0xffff;
	v3 =	vadd.f32 $0.0e+00, v3;
	v9 =	vadd.f32 v9, v39  }
0x78: {  	v0 =	vld [tilespmem:s14+$0x1C060]  }
0x79: {  	v3 =	vadd.f32 v13, v3;
	v13 =	vld.idx.msk [tilespmem:v28+s9+$0x0], $0xffff;
	v4 =	vadd.f32 v4, v9  }
0x7a: {  	v5 =	vadd.f32 $0.0e+00, v5;
	v10 =	vadd.f32 $0.0e+00, v10;
	v27 =	vld.idx.msk [tilespmem:v2+s2+$0x0], $0xffff  }
0x7b: {  	v2 =	vld [tilespmem:s14+$0x1C040];
	v4 =	vadd.f32 v6, v4;
	v6 =	vadd.f32 $0.0e+00, v26  }
0x7c: {  	v11 =	vadd.f32 $0.0e+00, v11;
	v9 =	vld.idx.msk [tilespmem:v21+s8+$0x0], $0xffff;
	v60 =	vadd.f32 v20, v3  }
0x7d: {  	v3 =	vld.idx.msk [tilespmem:v34+s9+$0x0], $0xffff;
	v58 =	vadd.f32 v7, v4;
	v4 =	vadd.f32 v12, v6  }
0x7e: {  	v6 =	vld.idx.msk [tilespmem:v25+s8+$0x0], $0xffff;
	v7 =	vadd.f32 v14, v5;
	v5 =	vadd.f32 $0.0e+00, v8  }
0x7f: {  	v10 =	vadd.f32 v17, v10;
	v8 =	vadd.f32 $0.0e+00, v27;
	v14 =	vld.idx.msk [tilespmem:v29+s9+$0x0], $0xffff  }
0x80: {  	v11 =	vadd.f32 v18, v11;
	v12 =	vadd.f32 v15, v5;
	v15 =	vld.idx.msk [tilespmem:v31+s9+$0x0], $0xffff  }
0x81: {  	v8 =	vadd.f32 v16, v8;
	v16 =	vld.idx.msk [tilespmem:v32+s9+$0x0], $0xffff;
	v17 =	vadd.f32 v19, v4  }
0x82: {  	v5 =	vld.idx.msk [tilespmem:v33+s9+$0x0], $0xffff;
	v9 =	vadd.f32 v9, v7;
	v7 =	vadd.f32 v57, v10  }
0x83: {  	v61 =	vadd.f32 v55, v12;
	v62 =	vadd.f32 v56, v8;
	v12 =	vld.idx.msk [tilespmem:v35+s10+$0x0], $0xffff  }
0x84: {  	v10 =	vadd.f32 v13, v17;
	v13 =	vld.idx.msk [tilespmem:v36+s10+$0x0], $0xffff;
	v8 =	vadd.f32 v59, v9  }
0x85: {  	v4 =	vadd.f32 v6, v11;
	v11 =	vadd.f32 v14, v60;
	v14 =	vld.idx.msk [tilespmem:v37+s10+$0x0], $0xffff  }
0x86: {  	s15 =	simm.s32 $0x0;
	s17 =	simm.s32 $0x0;
	[tilespmem:s16+$0x1E000] =	vst v58;
	s16 =	simm.s32 $0x400;
	v9 =	vadd.f32 v15, v61;
	v15 =	vld.idx.msk [tilespmem:v38+s10+$0x0], $0xffff;
	v6 =	vadd.f32 v16, v62  }
.LBB2_2:
0x87: {  	s18 =	sand.u32 $0x1C00, s16;
	s15 =	sadd.s32 $0x8, s15;
	v2 =	vld.idx.msk [tilespmem:v2+s10+$0x0], $0xffff;
	v5 =	vadd.f32 v5, v7;
	s17 =	sadd.s32 $0x10, s17  }
0x88: {  	v3 =	vadd.f32 v3, v4;
	s19 =	sand.u32 $0x380, s17;
	s20 =	sor.u32 s18, s17;
	p0 =	slt.u32 s15, $0x1F8;
	v1 =	vld.idx.msk [tilespmem:v1+s10+$0x0], $0xffff  }
0x89: {  	v4 =	vadd.f32 v12, v10;
	s19 =	sor.u32 s19, s18;
	s18 =	sor.u32 $0x70, s20;
	v0 =	vld.idx.msk [tilespmem:v0+s10+$0x0], $0xffff  }
0x8a: {  	v10 =	vadd.f32 v13, v11;
	v7 =	vld [tilespmem:s18+$0x14000]  }
0x8b: {  	v11 =	vld [tilespmem:s19+$0x14000];
	[tilespmem:s14+$0x1E000] =	vst v4;
	v4 =	vadd.f32 v14, v8  }
0x8c: {  	v9 =	vadd.f32 v15, v9;
	v8 =	vld [tilespmem:s18+$0x16000];
	[tilespmem:s14+$0x1E010] =	vst v10  }
0x8d: {  	v2 =	vadd.f32 v2, v6;
	v10 =	vld [tilespmem:s19+$0x14010];
	[tilespmem:s14+$0x1E020] =	vst v4  }
0x8e: {  	v1 =	vadd.f32 v1, v5;
	v4 =	vld [tilespmem:s18+$0x18000];
	[tilespmem:s14+$0x1E030] =	vst v9  }
0x8f: {  	v0 =	vadd.f32 v0, v3;
	v5 =	vld [tilespmem:s19+$0x14020];
	[tilespmem:s14+$0x1E040] =	vst v2  }
0x90: {  	v2 =	vld [tilespmem:s18+$0x1A000];
	[tilespmem:s14+$0x1E050] =	vst v1  }
0x91: {  	v1 =	vld [tilespmem:s18+$0x1C000];
	[tilespmem:s14+$0x1E060] =	vst v0;
	s14 =	smov.u32 s19  }
0x92: {  	v0 =	vld.idx.msk [tilespmem:v7+s2+$0x0], $0xffff  }
0x93: {  	v3 =	vld [tilespmem:s14+$0x14030]  }
0x94: {  	v6 =	vld.idx.msk [tilespmem:v8+s7+$0x0], $0xffff  }
0x95: {  	v7 =	vld [tilespmem:s14+$0x14040]  }
0x96: {  	v4 =	vld.idx.msk [tilespmem:v4+s8+$0x0], $0xffff  }
0x97: {  	v8 =	vld [tilespmem:s14+$0x14050]  }
0x98: {  	v0 =	vadd.f32 $0.0e+00, v0;
	v2 =	vld.idx.msk [tilespmem:v2+s9+$0x0], $0xffff  }
0x99: {  	v9 =	vld [tilespmem:s14+$0x14060]  }
0x9a: {  	v0 =	vadd.f32 v6, v0;
	v1 =	vld.idx.msk [tilespmem:v1+s10+$0x0], $0xffff  }
0x9b: {  	v6 =	vld [tilespmem:s14+$0x16000]  }
0x9c: {  	v0 =	vadd.f32 v4, v0;
	v12 =	vld [tilespmem:s14+$0x16010]  }
0x9d: {  	v4 =	vld [tilespmem:s14+$0x16020]  }
0x9e: {  	v0 =	vadd.f32 v2, v0;
	v13 =	vld [tilespmem:s14+$0x16030]  }
0x9f: {  	v2 =	vld [tilespmem:s14+$0x16040]  }
0xa0: {  	v0 =	vadd.f32 v1, v0;
	v14 =	vld [tilespmem:s14+$0x16050]  }
0xa1: {  	v1 =	vld [tilespmem:s14+$0x16060]  }
0xa2: {  	v15 =	vld [tilespmem:s14+$0x18000];
	[tilespmem:s18+$0x1E000] =	vst v0  }
0xa3: {  	v16 =	vld [tilespmem:s14+$0x18010]  }
0xa4: {  	v17 =	vld [tilespmem:s14+$0x18020]  }
0xa5: {  	v18 =	vld [tilespmem:s14+$0x18030]  }
0xa6: {  	v19 =	vld [tilespmem:s14+$0x18040]  }
0xa7: {  	v20 =	vld [tilespmem:s14+$0x18050]  }
0xa8: {  	v21 =	vld [tilespmem:s14+$0x18060]  }
0xa9: {  	v0 =	vld.idx.msk [tilespmem:v11+s2+$0x0], $0xffff  }
0xaa: {  	v10 =	vld.idx.msk [tilespmem:v10+s2+$0x0], $0xffff  }
0xab: {  	v5 =	vld.idx.msk [tilespmem:v5+s2+$0x0], $0xffff  }
0xac: {  	v3 =	vld.idx.msk [tilespmem:v3+s2+$0x0], $0xffff  }
0xad: {  	v7 =	vld.idx.msk [tilespmem:v7+s2+$0x0], $0xffff  }
0xae: {  	v8 =	vld.idx.msk [tilespmem:v8+s2+$0x0], $0xffff  }
0xaf: {  	v0 =	vadd.f32 $0.0e+00, v0;
	v9 =	vld.idx.msk [tilespmem:v9+s2+$0x0], $0xffff  }
0xb0: {  	v10 =	vadd.f32 $0.0e+00, v10;
	v11 =	vld [tilespmem:s14+$0x1A000]  }
0xb1: {  	v5 =	vadd.f32 $0.0e+00, v5;
	v22 =	vld [tilespmem:s14+$0x1A010]  }
0xb2: {  	v3 =	vadd.f32 $0.0e+00, v3;
	v23 =	vld [tilespmem:s14+$0x1A020]  }
0xb3: {  	v7 =	vadd.f32 $0.0e+00, v7;
	v24 =	vld [tilespmem:s14+$0x1A030]  }
0xb4: {  	v8 =	vadd.f32 $0.0e+00, v8;
	v25 =	vld [tilespmem:s14+$0x1A040]  }
0xb5: {  	v9 =	vadd.f32 $0.0e+00, v9;
	v26 =	vld [tilespmem:s14+$0x1A050]  }
0xb6: {  	v27 =	vld [tilespmem:s14+$0x1A060]  }
0xb7: {  	v6 =	vld.idx.msk [tilespmem:v6+s7+$0x0], $0xffff  }
0xb8: {  	v12 =	vld.idx.msk [tilespmem:v12+s7+$0x0], $0xffff  }
0xb9: {  	v4 =	vld.idx.msk [tilespmem:v4+s7+$0x0], $0xffff  }
0xba: {  	v13 =	vld.idx.msk [tilespmem:v13+s7+$0x0], $0xffff  }
0xbb: {  	v2 =	vld.idx.msk [tilespmem:v2+s7+$0x0], $0xffff  }
0xbc: {  	v14 =	vld.idx.msk [tilespmem:v14+s7+$0x0], $0xffff  }
0xbd: {  	v6 =	vadd.f32 v6, v0;
	v0 =	vld.idx.msk [tilespmem:v1+s7+$0x0], $0xffff  }
0xbe: {  	v10 =	vadd.f32 v12, v10;
	v28 =	vld [tilespmem:s14+$0x1C000]  }
0xbf: {  	v4 =	vadd.f32 v4, v5;
	v29 =	vld [tilespmem:s14+$0x1C010]  }
0xc0: {  	v3 =	vadd.f32 v13, v3;
	v30 =	vld [tilespmem:s14+$0x1C020]  }
0xc1: {  	v5 =	vadd.f32 v2, v7;
	v31 =	vld [tilespmem:s14+$0x1C030]  }
0xc2: {  	v7 =	vadd.f32 v14, v8;
	v2 =	vld [tilespmem:s14+$0x1C040]  }
0xc3: {  	v8 =	vadd.f32 v0, v9;
	v1 =	vld [tilespmem:s14+$0x1C050]  }
0xc4: {  	v0 =	vld [tilespmem:s14+$0x1C060]  }
0xc5: {  	v9 =	vld.idx.msk [tilespmem:v15+s8+$0x0], $0xffff  }
0xc6: {  	v12 =	vld.idx.msk [tilespmem:v16+s8+$0x0], $0xffff  }
0xc7: {  	v13 =	vld.idx.msk [tilespmem:v17+s8+$0x0], $0xffff  }
0xc8: {  	v14 =	vld.idx.msk [tilespmem:v18+s8+$0x0], $0xffff  }
0xc9: {  	v15 =	vld.idx.msk [tilespmem:v19+s8+$0x0], $0xffff  }
0xca: {  	v16 =	vld.idx.msk [tilespmem:v20+s8+$0x0], $0xffff  }
0xcb: {  	v6 =	vadd.f32 v9, v6;
	v9 =	vld.idx.msk [tilespmem:v21+s8+$0x0], $0xffff  }
0xcc: {  	v17 =	vadd.f32 v12, v10;
	v11 =	vld.idx.msk [tilespmem:v11+s9+$0x0], $0xffff  }
0xcd: {  	v19 =	vadd.f32 v13, v4;
	v18 =	vld.idx.msk [tilespmem:v22+s9+$0x0], $0xffff  }
0xce: {  	v21 =	vadd.f32 v14, v3;
	v20 =	vld.idx.msk [tilespmem:v23+s9+$0x0], $0xffff  }
0xcf: {  	v23 =	vadd.f32 v15, v5;
	v22 =	vld.idx.msk [tilespmem:v24+s9+$0x0], $0xffff  }
0xd0: {  	v7 =	vadd.f32 v16, v7;
	v24 =	vld.idx.msk [tilespmem:v25+s9+$0x0], $0xffff  }
0xd1: {  	v4 =	vadd.f32 v9, v8;
	v5 =	vld.idx.msk [tilespmem:v26+s9+$0x0], $0xffff  }
.Ltmp0:
0xd2: {  	v10 =	vadd.f32 v11, v6;
	v3 =	vld.idx.msk [tilespmem:v27+s9+$0x0], $0xffff;
	(pc) =	sbr.rel @p0 .LBB2_2-.Ltmp0, $4  }
0xd3: {  	v11 =	vadd.f32 v18, v17;
	v12 =	vld.idx.msk [tilespmem:v28+s10+$0x0], $0xffff  }
0xd4: {  	v8 =	vadd.f32 v20, v19;
	v13 =	vld.idx.msk [tilespmem:v29+s10+$0x0], $0xffff  }
0xd5: {  	v9 =	vadd.f32 v22, v21;
	v14 =	vld.idx.msk [tilespmem:v30+s10+$0x0], $0xffff  }
0xd6: {  	s16 =	sadd.s32 $0x400, s16;
	v6 =	vadd.f32 v24, v23;
	v15 =	vld.idx.msk [tilespmem:v31+s10+$0x0], $0xffff  }
0xd7: {  	_ =	sdelay $0x3  }
0xd8: {  	v2 =	vld.idx.msk [tilespmem:v2+s10+$0x0], $0xffff  }
0xd9: {  	v1 =	vld.idx.msk [tilespmem:v1+s10+$0x0], $0xffff;
	v10 =	vadd.f32 v12, v10  }
0xda: {  	v0 =	vld.idx.msk [tilespmem:v0+s10+$0x0], $0xffff;
	v11 =	vadd.f32 v13, v11  }
0xdb: {  	[tilespmem:s14+$0x1E000] =	vst v10;
	v8 =	vadd.f32 v14, v8  }
0xdc: {  	v5 =	vadd.f32 v5, v7;
	[tilespmem:s14+$0x1E010] =	vst v11;
	v7 =	vadd.f32 v15, v9  }
0xdd: {  	v3 =	vadd.f32 v3, v4;
	[tilespmem:s14+$0x1E020] =	vst v8;
	v2 =	vadd.f32 v2, v6  }
0xde: {  	v1 =	vadd.f32 v1, v5;
	[tilespmem:s14+$0x1E030] =	vst v7  }
0xdf: {  	v0 =	vadd.f32 v0, v3;
	[tilespmem:s14+$0x1E040] =	vst v2  }
0xe0: {  	[tilespmem:s14+$0x1E050] =	vst v1  }
0xe1: {  	[tilespmem:s14+$0x1E060] =	vst v0  }
0xe2: {  	s14 =	simm.s32 $0x0;
	s15 =	rddreg [dreg:$0x9]  }
0xe3: {  	[hbm4b:s15+s14] =	stream.linear.scatter [tilespmem:s11], [sflag:$0x3], $0x2000, $0x38;
	v63 =	vld [tilespmem:$0x0]  }
0xe4: {  	s20 =	rddreg [dreg:$0xa]  }
0xe5: {  	[tilespmem:s30], [sflag:$0x2] =	stream.linear.gather [hbm4b:s20+s14], $0x2000, $0x38;
	v63 =	vld [tilespmem:$0x0]  }
0xe6: {  	s16 =	rddreg [dreg:$0xb]  }
0xe7: {  	[tilespmem:s31], [sflag:$0x2] =	stream.linear.gather [hbm4b:s16+s14], $0x2000, $0x38;
	v63 =	vld [tilespmem:$0x0]  }
0xe8: {  	s17 =	rddreg [dreg:$0xc]  }
0xe9: {  	[tilespmem:s0], [sflag:$0x2] =	stream.linear.gather [hbm4b:s17+s14], $0x2000, $0x38;
	v63 =	vld [tilespmem:$0x0]  }
0xea: {  	s18 =	rddreg [dreg:$0xd]  }
0xeb: {  	[tilespmem:s1], [sflag:$0x2] =	stream.linear.gather [hbm4b:s18+s14], $0x2000, $0x38;
	v63 =	vld [tilespmem:$0x0]  }
0xec: {  	s19 =	rddreg [dreg:$0xe]  }
0xed: {  	[tilespmem:s3], [sflag:$0x2] =	stream.linear.gather [hbm4b:s19+s14], $0x2000, $0x38;
	v63 =	vld [tilespmem:$0x0]  }
0xee: {  	_ =	swait.ge [sflag:s6], $0x2000  }
0xef: {  	[sflag:s6] =	ssyncset.done $0x0  }
0xf0: {  	[sflag:s6] =	ssyncadd.s32 $0xFFFFE000  }
0xf1: {  	_ =	swait.ge [sflag:s6], $0x2000  }
0xf2: {  	[sflag:s6] =	ssyncset.done $0x0  }
0xf3: {  	[sflag:s6] =	ssyncadd.s32 $0xFFFFE000  }
0xf4: {  	_ =	swait.ge [sflag:s6], $0x2000  }
0xf5: {  	[sflag:s6] =	ssyncset.done $0x0  }
0xf6: {  	[sflag:s6] =	ssyncadd.s32 $0xFFFFE000  }
0xf7: {  	_ =	swait.ge [sflag:s6], $0x2000  }
0xf8: {  	[sflag:s6] =	ssyncset.done $0x0  }
0xf9: {  	[sflag:s6] =	ssyncadd.s32 $0xFFFFE000  }
0xfa: {  	_ =	swait.ge [sflag:s6], $0x2000  }
0xfb: {  	[sflag:s6] =	ssyncset.done $0x0  }
0xfc: {  	[sflag:s6] =	ssyncadd.s32 $0xFFFFE000  }
0xfd: {  	s20 =	sand.u32 $0x1C00, s14;
	_ =	swait.ge [sflag:s12], $0x2000  }
0xfe: {  	s16 =	sor.u32 s20, s14;
	[sflag:s12] =	ssyncset.done $0x0  }
0xff: {  	s17 =	sor.u32 $0x70, s16;
	s18 =	sand.u32 $0x380, s14;
	[sflag:s12] =	ssyncadd.s32 $0xFFFFE000  }
0x100: {  	s15 =	sor.u32 s18, s20;
	v0 =	vld [tilespmem:s17+$0x14000]  }
0x101: {  	v1 =	vld [tilespmem:s15+$0x14000]  }
0x102: {  	v2 =	vld [tilespmem:s17+$0x16000]  }
0x103: {  	v3 =	vld [tilespmem:s15+$0x14010]  }
0x104: {  	v4 =	vld [tilespmem:s17+$0x18000]  }
0x105: {  	v5 =	vld [tilespmem:s15+$0x14020]  }
0x106: {  	v6 =	vld [tilespmem:s17+$0x1A000]  }
0x107: {  	v7 =	vld [tilespmem:s17+$0x1C000]  }
0x108: {  	v8 =	vld [tilespmem:s15+$0x14030]  }
0x109: {  	v10 =	vld [tilespmem:s15+$0x14050]  }
0x10a: {  	v11 =	vld [tilespmem:s15+$0x14060]  }
0x10b: {  	v12 =	vld [tilespmem:s15+$0x16000]  }
0x10c: {  	v13 =	vld [tilespmem:s15+$0x16010]  }
0x10d: {  	v14 =	vld [tilespmem:s15+$0x16020]  }
0x10e: {  	v15 =	vld [tilespmem:s15+$0x16030]  }
0x10f: {  	v16 =	vld [tilespmem:s15+$0x16040]  }
0x110: {  	v17 =	vld [tilespmem:s15+$0x16050]  }
0x111: {  	v18 =	vld [tilespmem:s15+$0x16060]  }
0x112: {  	v19 =	vld [tilespmem:s15+$0x18000]  }
0x113: {  	v20 =	vld [tilespmem:s15+$0x18010]  }
0x114: {  	v21 =	vld [tilespmem:s15+$0x18020]  }
0x115: {  	v22 =	vld [tilespmem:s15+$0x18030]  }
0x116: {  	v23 =	vld [tilespmem:s15+$0x18040]  }
0x117: {  	v24 =	vld [tilespmem:s15+$0x18050]  }
0x118: {  	v25 =	vld [tilespmem:s15+$0x18060]  }
0x119: {  	v28 =	vld [tilespmem:s15+$0x1A000]  }
0x11a: {  	v29 =	vld [tilespmem:s15+$0x1A010]  }
0x11b: {  	v30 =	vld [tilespmem:s15+$0x1A020]  }
0x11c: {  	v31 =	vld [tilespmem:s15+$0x1A030]  }
0x11d: {  	v32 =	vld [tilespmem:s15+$0x1A040]  }
0x11e: {  	v33 =	vld [tilespmem:s15+$0x1A050]  }
0x11f: {  	v34 =	vld [tilespmem:s15+$0x1A060]  }
0x120: {  	v35 =	vld [tilespmem:s15+$0x1C000]  }
0x121: {  	v36 =	vld [tilespmem:s15+$0x1C010]  }
0x122: {  	v37 =	vld [tilespmem:s15+$0x1C020]  }
0x123: {  	v38 =	vld [tilespmem:s15+$0x1C030]  }
0x124: {  	v0 =	vld.idx.msk [tilespmem:v0+s2+$0x0], $0xffff  }
0x125: {  	v9 =	vld.idx.msk [tilespmem:v2+s7+$0x0], $0xffff  }
0x126: {  	v2 =	vld [tilespmem:s15+$0x14040]  }
0x127: {  	v4 =	vld.idx.msk [tilespmem:v4+s8+$0x0], $0xffff  }
0x128: {  	v6 =	vld.idx.msk [tilespmem:v6+s9+$0x0], $0xffff  }
0x129: {  	v7 =	vld.idx.msk [tilespmem:v7+s10+$0x0], $0xffff  }
0x12a: {  	v26 =	vld.idx.msk [tilespmem:v1+s2+$0x0], $0xffff  }
0x12b: {  	v3 =	vld.idx.msk [tilespmem:v3+s2+$0x0], $0xffff  }
0x12c: {  	v5 =	vld.idx.msk [tilespmem:v5+s2+$0x0], $0xffff  }
0x12d: {  	v8 =	vld.idx.msk [tilespmem:v8+s2+$0x0], $0xffff  }
0x12e: {  	v10 =	vld.idx.msk [tilespmem:v10+s2+$0x0], $0xffff  }
0x12f: {  	v11 =	vld.idx.msk [tilespmem:v11+s2+$0x0], $0xffff  }
0x130: {  	v12 =	vld.idx.msk [tilespmem:v12+s7+$0x0], $0xffff  }
0x131: {  	v13 =	vld.idx.msk [tilespmem:v13+s7+$0x0], $0xffff  }
0x132: {  	v14 =	vld.idx.msk [tilespmem:v14+s7+$0x0], $0xffff  }
0x133: {  	v15 =	vld.idx.msk [tilespmem:v15+s7+$0x0], $0xffff  }
0x134: {  	v16 =	vld.idx.msk [tilespmem:v16+s7+$0x0], $0xffff  }
0x135: {  	v17 =	vld.idx.msk [tilespmem:v17+s7+$0x0], $0xffff  }
0x136: {  	v18 =	vld.idx.msk [tilespmem:v18+s7+$0x0], $0xffff  }
0x137: {  	v1 =	vld [tilespmem:s15+$0x1C050]  }
0x138: {  	v19 =	vld.idx.msk [tilespmem:v19+s8+$0x0], $0xffff  }
0x139: {  	v20 =	vld.idx.msk [tilespmem:v20+s8+$0x0], $0xffff  }
0x13a: {  	v55 =	vld.idx.msk [tilespmem:v22+s8+$0x0], $0xffff  }
0x13b: {  	v56 =	vld.idx.msk [tilespmem:v23+s8+$0x0], $0xffff;
	v39 =	vadd.f32 $0.0e+00, v0  }
0x13c: {  	v57 =	vld.idx.msk [tilespmem:v24+s8+$0x0], $0xffff  }
0x13d: {  	v59 =	vld.idx.msk [tilespmem:v30+s9+$0x0], $0xffff;
	v3 =	vadd.f32 $0.0e+00, v3;
	v9 =	vadd.f32 v9, v39  }
0x13e: {  	v0 =	vld [tilespmem:s15+$0x1C060]  }
0x13f: {  	v3 =	vadd.f32 v13, v3;
	v13 =	vld.idx.msk [tilespmem:v28+s9+$0x0], $0xffff;
	v4 =	vadd.f32 v4, v9  }
0x140: {  	v5 =	vadd.f32 $0.0e+00, v5;
	v10 =	vadd.f32 $0.0e+00, v10;
	v27 =	vld.idx.msk [tilespmem:v2+s2+$0x0], $0xffff  }
0x141: {  	v2 =	vld [tilespmem:s15+$0x1C040];
	v4 =	vadd.f32 v6, v4;
	v6 =	vadd.f32 $0.0e+00, v26  }
0x142: {  	v11 =	vadd.f32 $0.0e+00, v11;
	v9 =	vld.idx.msk [tilespmem:v21+s8+$0x0], $0xffff;
	v60 =	vadd.f32 v20, v3  }
0x143: {  	v3 =	vld.idx.msk [tilespmem:v34+s9+$0x0], $0xffff;
	v58 =	vadd.f32 v7, v4;
	v4 =	vadd.f32 v12, v6  }
0x144: {  	v6 =	vld.idx.msk [tilespmem:v25+s8+$0x0], $0xffff;
	v7 =	vadd.f32 v14, v5;
	v5 =	vadd.f32 $0.0e+00, v8  }
0x145: {  	v10 =	vadd.f32 v17, v10;
	v8 =	vadd.f32 $0.0e+00, v27;
	v14 =	vld.idx.msk [tilespmem:v29+s9+$0x0], $0xffff  }
0x146: {  	v11 =	vadd.f32 v18, v11;
	v12 =	vadd.f32 v15, v5;
	v15 =	vld.idx.msk [tilespmem:v31+s9+$0x0], $0xffff  }
0x147: {  	v8 =	vadd.f32 v16, v8;
	v16 =	vld.idx.msk [tilespmem:v32+s9+$0x0], $0xffff;
	v17 =	vadd.f32 v19, v4  }
0x148: {  	v5 =	vld.idx.msk [tilespmem:v33+s9+$0x0], $0xffff;
	v9 =	vadd.f32 v9, v7;
	v7 =	vadd.f32 v57, v10  }
0x149: {  	v61 =	vadd.f32 v55, v12;
	v62 =	vadd.f32 v56, v8;
	v12 =	vld.idx.msk [tilespmem:v35+s10+$0x0], $0xffff  }
0x14a: {  	v10 =	vadd.f32 v13, v17;
	v13 =	vld.idx.msk [tilespmem:v36+s10+$0x0], $0xffff;
	v8 =	vadd.f32 v59, v9  }
0x14b: {  	v4 =	vadd.f32 v6, v11;
	v11 =	vadd.f32 v14, v60;
	v14 =	vld.idx.msk [tilespmem:v37+s10+$0x0], $0xffff  }
0x14c: {  	s16 =	simm.s32 $0x0;
	[tilespmem:s17+$0x1E000] =	vst v58;
	s17 =	simm.s32 $0x400;
	v9 =	vadd.f32 v15, v61;
	v15 =	vld.idx.msk [tilespmem:v38+s10+$0x0], $0xffff;
	v6 =	vadd.f32 v16, v62  }
.LBB2_4:
0x14d: {  	s18 =	sand.u32 $0x1C00, s17;
	s16 =	sadd.s32 $0x8, s16;
	v2 =	vld.idx.msk [tilespmem:v2+s10+$0x0], $0xffff;
	v5 =	vadd.f32 v5, v7;
	s14 =	sadd.s32 $0x10, s14  }
0x14e: {  	v3 =	vadd.f32 v3, v4;
	s19 =	sand.u32 $0x380, s14;
	s20 =	sor.u32 s18, s14;
	p0 =	slt.u32 s16, $0x1F8;
	v1 =	vld.idx.msk [tilespmem:v1+s10+$0x0], $0xffff  }
0x14f: {  	v4 =	vadd.f32 v12, v10;
	s19 =	sor.u32 s19, s18;
	s18 =	sor.u32 $0x70, s20;
	v0 =	vld.idx.msk [tilespmem:v0+s10+$0x0], $0xffff  }
0x150: {  	v10 =	vadd.f32 v13, v11;
	v7 =	vld [tilespmem:s18+$0x14000]  }
0x151: {  	v11 =	vld [tilespmem:s19+$0x14000];
	[tilespmem:s15+$0x1E000] =	vst v4;
	v4 =	vadd.f32 v14, v8  }
0x152: {  	v9 =	vadd.f32 v15, v9;
	v8 =	vld [tilespmem:s18+$0x16000];
	[tilespmem:s15+$0x1E010] =	vst v10  }
0x153: {  	v2 =	vadd.f32 v2, v6;
	v10 =	vld [tilespmem:s19+$0x14010];
	[tilespmem:s15+$0x1E020] =	vst v4  }
0x154: {  	v1 =	vadd.f32 v1, v5;
	v4 =	vld [tilespmem:s18+$0x18000];
	[tilespmem:s15+$0x1E030] =	vst v9  }
0x155: {  	v0 =	vadd.f32 v0, v3;
	v5 =	vld [tilespmem:s19+$0x14020];
	[tilespmem:s15+$0x1E040] =	vst v2  }
0x156: {  	v2 =	vld [tilespmem:s18+$0x1A000];
	[tilespmem:s15+$0x1E050] =	vst v1  }
0x157: {  	v1 =	vld [tilespmem:s18+$0x1C000];
	[tilespmem:s15+$0x1E060] =	vst v0;
	s15 =	smov.u32 s19  }
0x158: {  	v0 =	vld.idx.msk [tilespmem:v7+s2+$0x0], $0xffff  }
0x159: {  	v3 =	vld [tilespmem:s15+$0x14030]  }
0x15a: {  	v6 =	vld.idx.msk [tilespmem:v8+s7+$0x0], $0xffff  }
0x15b: {  	v7 =	vld [tilespmem:s15+$0x14040]  }
0x15c: {  	v4 =	vld.idx.msk [tilespmem:v4+s8+$0x0], $0xffff  }
0x15d: {  	v8 =	vld [tilespmem:s15+$0x14050]  }
0x15e: {  	v0 =	vadd.f32 $0.0e+00, v0;
	v2 =	vld.idx.msk [tilespmem:v2+s9+$0x0], $0xffff  }
0x15f: {  	v9 =	vld [tilespmem:s15+$0x14060]  }
0x160: {  	v0 =	vadd.f32 v6, v0;
	v1 =	vld.idx.msk [tilespmem:v1+s10+$0x0], $0xffff  }
0x161: {  	v6 =	vld [tilespmem:s15+$0x16000]  }
0x162: {  	v0 =	vadd.f32 v4, v0;
	v12 =	vld [tilespmem:s15+$0x16010]  }
0x163: {  	v4 =	vld [tilespmem:s15+$0x16020]  }
0x164: {  	v0 =	vadd.f32 v2, v0;
	v13 =	vld [tilespmem:s15+$0x16030]  }
0x165: {  	v2 =	vld [tilespmem:s15+$0x16040]  }
0x166: {  	v0 =	vadd.f32 v1, v0;
	v14 =	vld [tilespmem:s15+$0x16050]  }
0x167: {  	v1 =	vld [tilespmem:s15+$0x16060]  }
0x168: {  	v15 =	vld [tilespmem:s15+$0x18000];
	[tilespmem:s18+$0x1E000] =	vst v0  }
0x169: {  	v16 =	vld [tilespmem:s15+$0x18010]  }
0x16a: {  	v17 =	vld [tilespmem:s15+$0x18020]  }
0x16b: {  	v18 =	vld [tilespmem:s15+$0x18030]  }
0x16c: {  	v19 =	vld [tilespmem:s15+$0x18040]  }
0x16d: {  	v20 =	vld [tilespmem:s15+$0x18050]  }
0x16e: {  	v21 =	vld [tilespmem:s15+$0x18060]  }
0x16f: {  	v0 =	vld.idx.msk [tilespmem:v11+s2+$0x0], $0xffff  }
0x170: {  	v10 =	vld.idx.msk [tilespmem:v10+s2+$0x0], $0xffff  }
0x171: {  	v5 =	vld.idx.msk [tilespmem:v5+s2+$0x0], $0xffff  }
0x172: {  	v3 =	vld.idx.msk [tilespmem:v3+s2+$0x0], $0xffff  }
0x173: {  	v7 =	vld.idx.msk [tilespmem:v7+s2+$0x0], $0xffff  }
0x174: {  	v8 =	vld.idx.msk [tilespmem:v8+s2+$0x0], $0xffff  }
0x175: {  	v0 =	vadd.f32 $0.0e+00, v0;
	v9 =	vld.idx.msk [tilespmem:v9+s2+$0x0], $0xffff  }
0x176: {  	v10 =	vadd.f32 $0.0e+00, v10;
	v11 =	vld [tilespmem:s15+$0x1A000]  }
0x177: {  	v5 =	vadd.f32 $0.0e+00, v5;
	v22 =	vld [tilespmem:s15+$0x1A010]  }
0x178: {  	v3 =	vadd.f32 $0.0e+00, v3;
	v23 =	vld [tilespmem:s15+$0x1A020]  }
0x179: {  	v7 =	vadd.f32 $0.0e+00, v7;
	v24 =	vld [tilespmem:s15+$0x1A030]  }
0x17a: {  	v8 =	vadd.f32 $0.0e+00, v8;
	v25 =	vld [tilespmem:s15+$0x1A040]  }
0x17b: {  	v9 =	vadd.f32 $0.0e+00, v9;
	v26 =	vld [tilespmem:s15+$0x1A050]  }
0x17c: {  	v27 =	vld [tilespmem:s15+$0x1A060]  }
0x17d: {  	v6 =	vld.idx.msk [tilespmem:v6+s7+$0x0], $0xffff  }
0x17e: {  	v12 =	vld.idx.msk [tilespmem:v12+s7+$0x0], $0xffff  }
0x17f: {  	v4 =	vld.idx.msk [tilespmem:v4+s7+$0x0], $0xffff  }
0x180: {  	v13 =	vld.idx.msk [tilespmem:v13+s7+$0x0], $0xffff  }
0x181: {  	v2 =	vld.idx.msk [tilespmem:v2+s7+$0x0], $0xffff  }
0x182: {  	v14 =	vld.idx.msk [tilespmem:v14+s7+$0x0], $0xffff  }
0x183: {  	v6 =	vadd.f32 v6, v0;
	v0 =	vld.idx.msk [tilespmem:v1+s7+$0x0], $0xffff  }
0x184: {  	v10 =	vadd.f32 v12, v10;
	v28 =	vld [tilespmem:s15+$0x1C000]  }
0x185: {  	v4 =	vadd.f32 v4, v5;
	v29 =	vld [tilespmem:s15+$0x1C010]  }
0x186: {  	v3 =	vadd.f32 v13, v3;
	v30 =	vld [tilespmem:s15+$0x1C020]  }
0x187: {  	v5 =	vadd.f32 v2, v7;
	v31 =	vld [tilespmem:s15+$0x1C030]  }
0x188: {  	v7 =	vadd.f32 v14, v8;
	v2 =	vld [tilespmem:s15+$0x1C040]  }
0x189: {  	v8 =	vadd.f32 v0, v9;
	v1 =	vld [tilespmem:s15+$0x1C050]  }
0x18a: {  	v0 =	vld [tilespmem:s15+$0x1C060]  }
0x18b: {  	v9 =	vld.idx.msk [tilespmem:v15+s8+$0x0], $0xffff  }
0x18c: {  	v12 =	vld.idx.msk [tilespmem:v16+s8+$0x0], $0xffff  }
0x18d: {  	v13 =	vld.idx.msk [tilespmem:v17+s8+$0x0], $0xffff  }
0x18e: {  	v14 =	vld.idx.msk [tilespmem:v18+s8+$0x0], $0xffff  }
0x18f: {  	v15 =	vld.idx.msk [tilespmem:v19+s8+$0x0], $0xffff  }
0x190: {  	v16 =	vld.idx.msk [tilespmem:v20+s8+$0x0], $0xffff  }
0x191: {  	v6 =	vadd.f32 v9, v6;
	v9 =	vld.idx.msk [tilespmem:v21+s8+$0x0], $0xffff  }
0x192: {  	v17 =	vadd.f32 v12, v10;
	v11 =	vld.idx.msk [tilespmem:v11+s9+$0x0], $0xffff  }
0x193: {  	v19 =	vadd.f32 v13, v4;
	v18 =	vld.idx.msk [tilespmem:v22+s9+$0x0], $0xffff  }
0x194: {  	v21 =	vadd.f32 v14, v3;
	v20 =	vld.idx.msk [tilespmem:v23+s9+$0x0], $0xffff  }
0x195: {  	v23 =	vadd.f32 v15, v5;
	v22 =	vld.idx.msk [tilespmem:v24+s9+$0x0], $0xffff  }
0x196: {  	v7 =	vadd.f32 v16, v7;
	v24 =	vld.idx.msk [tilespmem:v25+s9+$0x0], $0xffff  }
0x197: {  	v4 =	vadd.f32 v9, v8;
	v5 =	vld.idx.msk [tilespmem:v26+s9+$0x0], $0xffff  }
.Ltmp1:
0x198: {  	v10 =	vadd.f32 v11, v6;
	v3 =	vld.idx.msk [tilespmem:v27+s9+$0x0], $0xffff;
	(pc) =	sbr.rel @p0 .LBB2_4-.Ltmp1, $4  }
0x199: {  	v11 =	vadd.f32 v18, v17;
	v12 =	vld.idx.msk [tilespmem:v28+s10+$0x0], $0xffff  }
0x19a: {  	v8 =	vadd.f32 v20, v19;
	v13 =	vld.idx.msk [tilespmem:v29+s10+$0x0], $0xffff  }
0x19b: {  	v9 =	vadd.f32 v22, v21;
	v14 =	vld.idx.msk [tilespmem:v30+s10+$0x0], $0xffff  }
0x19c: {  	s17 =	sadd.s32 $0x400, s17;
	v6 =	vadd.f32 v24, v23;
	v15 =	vld.idx.msk [tilespmem:v31+s10+$0x0], $0xffff  }
0x19d: {  	_ =	sdelay $0x3  }
0x19e: {  	v2 =	vld.idx.msk [tilespmem:v2+s10+$0x0], $0xffff  }
0x19f: {  	v1 =	vld.idx.msk [tilespmem:v1+s10+$0x0], $0xffff;
	v10 =	vadd.f32 v12, v10  }
0x1a0: {  	v0 =	vld.idx.msk [tilespmem:v0+s10+$0x0], $0xffff;
	v11 =	vadd.f32 v13, v11  }
0x1a1: {  	[tilespmem:s15+$0x1E000] =	vst v10;
	v8 =	vadd.f32 v14, v8  }
0x1a2: {  	v5 =	vadd.f32 v5, v7;
	[tilespmem:s15+$0x1E010] =	vst v11;
	v7 =	vadd.f32 v15, v9  }
0x1a3: {  	v3 =	vadd.f32 v3, v4;
	[tilespmem:s15+$0x1E020] =	vst v8;
	v2 =	vadd.f32 v2, v6  }
0x1a4: {  	v1 =	vadd.f32 v1, v5;
	[tilespmem:s15+$0x1E030] =	vst v7  }
0x1a5: {  	v0 =	vadd.f32 v0, v3;
	[tilespmem:s15+$0x1E040] =	vst v2  }
0x1a6: {  	[tilespmem:s15+$0x1E050] =	vst v1  }
0x1a7: {  	[tilespmem:s15+$0x1E060] =	vst v0  }
0x1a8: {  	s14 =	simm.s32 $0x0;
	s15 =	rddreg [dreg:$0xf]  }
0x1a9: {  	[hbm4b:s15+s14] =	stream.linear.scatter [tilespmem:s11], [sflag:$0x3], $0x2000, $0x38;
	v63 =	vld [tilespmem:$0x0]  }
0x1aa: {  	s20 =	rddreg [dreg:$0x10]  }
0x1ab: {  	[tilespmem:s30], [sflag:$0x2] =	stream.linear.gather [hbm4b:s20+s14], $0x2000, $0x38;
	v63 =	vld [tilespmem:$0x0]  }
0x1ac: {  	s16 =	rddreg [dreg:$0x11]  }
0x1ad: {  	[tilespmem:s31], [sflag:$0x2] =	stream.linear.gather [hbm4b:s16+s14], $0x2000, $0x38;
	v63 =	vld [tilespmem:$0x0]  }
0x1ae: {  	s17 =	rddreg [dreg:$0x12]  }
0x1af: {  	[tilespmem:s0], [sflag:$0x2] =	stream.linear.gather [hbm4b:s17+s14], $0x2000, $0x38;
	v63 =	vld [tilespmem:$0x0]  }
0x1b0: {  	s18 =	rddreg [dreg:$0x13]  }
0x1b1: {  	[tilespmem:s1], [sflag:$0x2] =	stream.linear.gather [hbm4b:s18+s14], $0x2000, $0x38;
	v63 =	vld [tilespmem:$0x0]  }
0x1b2: {  	s19 =	rddreg [dreg:$0x14]  }
0x1b3: {  	[tilespmem:s3], [sflag:$0x2] =	stream.linear.gather [hbm4b:s19+s14], $0x2000, $0x38;
	v63 =	vld [tilespmem:$0x0]  }
0x1b4: {  	_ =	swait.ge [sflag:s6], $0x2000  }
0x1b5: {  	[sflag:s6] =	ssyncset.done $0x0  }
0x1b6: {  	[sflag:s6] =	ssyncadd.s32 $0xFFFFE000  }
0x1b7: {  	_ =	swait.ge [sflag:s6], $0x2000  }
0x1b8: {  	[sflag:s6] =	ssyncset.done $0x0  }
0x1b9: {  	[sflag:s6] =	ssyncadd.s32 $0xFFFFE000  }
0x1ba: {  	_ =	swait.ge [sflag:s6], $0x2000  }
0x1bb: {  	[sflag:s6] =	ssyncset.done $0x0  }
0x1bc: {  	[sflag:s6] =	ssyncadd.s32 $0xFFFFE000  }
0x1bd: {  	_ =	swait.ge [sflag:s6], $0x2000  }
0x1be: {  	[sflag:s6] =	ssyncset.done $0x0  }
0x1bf: {  	[sflag:s6] =	ssyncadd.s32 $0xFFFFE000  }
0x1c0: {  	_ =	swait.ge [sflag:s6], $0x2000  }
0x1c1: {  	[sflag:s6] =	ssyncset.done $0x0  }
0x1c2: {  	[sflag:s6] =	ssyncadd.s32 $0xFFFFE000  }
0x1c3: {  	s20 =	sand.u32 $0x1C00, s14;
	_ =	swait.ge [sflag:s12], $0x2000  }
0x1c4: {  	s16 =	sor.u32 s20, s14;
	[sflag:s12] =	ssyncset.done $0x0  }
0x1c5: {  	s17 =	sor.u32 $0x70, s16;
	s18 =	sand.u32 $0x380, s14;
	[sflag:s12] =	ssyncadd.s32 $0xFFFFE000  }
0x1c6: {  	s15 =	sor.u32 s18, s20;
	v0 =	vld [tilespmem:s17+$0x14000]  }
0x1c7: {  	v1 =	vld [tilespmem:s15+$0x14000]  }
0x1c8: {  	v2 =	vld [tilespmem:s17+$0x16000]  }
0x1c9: {  	v3 =	vld [tilespmem:s15+$0x14010]  }
0x1ca: {  	v4 =	vld [tilespmem:s17+$0x18000]  }
0x1cb: {  	v5 =	vld [tilespmem:s15+$0x14020]  }
0x1cc: {  	v6 =	vld [tilespmem:s17+$0x1A000]  }
0x1cd: {  	v7 =	vld [tilespmem:s17+$0x1C000]  }
0x1ce: {  	v8 =	vld [tilespmem:s15+$0x14030]  }
0x1cf: {  	v10 =	vld [tilespmem:s15+$0x14050]  }
0x1d0: {  	v11 =	vld [tilespmem:s15+$0x14060]  }
0x1d1: {  	v12 =	vld [tilespmem:s15+$0x16000]  }
0x1d2: {  	v13 =	vld [tilespmem:s15+$0x16010]  }
0x1d3: {  	v14 =	vld [tilespmem:s15+$0x16020]  }
0x1d4: {  	v15 =	vld [tilespmem:s15+$0x16030]  }
0x1d5: {  	v16 =	vld [tilespmem:s15+$0x16040]  }
0x1d6: {  	v17 =	vld [tilespmem:s15+$0x16050]  }
0x1d7: {  	v18 =	vld [tilespmem:s15+$0x16060]  }
0x1d8: {  	v19 =	vld [tilespmem:s15+$0x18000]  }
0x1d9: {  	v20 =	vld [tilespmem:s15+$0x18010]  }
0x1da: {  	v21 =	vld [tilespmem:s15+$0x18020]  }
0x1db: {  	v22 =	vld [tilespmem:s15+$0x18030]  }
0x1dc: {  	v23 =	vld [tilespmem:s15+$0x18040]  }
0x1dd: {  	v24 =	vld [tilespmem:s15+$0x18050]  }
0x1de: {  	v25 =	vld [tilespmem:s15+$0x18060]  }
0x1df: {  	v28 =	vld [tilespmem:s15+$0x1A000]  }
0x1e0: {  	v29 =	vld [tilespmem:s15+$0x1A010]  }
0x1e1: {  	v30 =	vld [tilespmem:s15+$0x1A020]  }
0x1e2: {  	v31 =	vld [tilespmem:s15+$0x1A030]  }
0x1e3: {  	v32 =	vld [tilespmem:s15+$0x1A040]  }
0x1e4: {  	v33 =	vld [tilespmem:s15+$0x1A050]  }
0x1e5: {  	v34 =	vld [tilespmem:s15+$0x1A060]  }
0x1e6: {  	v35 =	vld [tilespmem:s15+$0x1C000]  }
0x1e7: {  	v36 =	vld [tilespmem:s15+$0x1C010]  }
0x1e8: {  	v37 =	vld [tilespmem:s15+$0x1C020]  }
0x1e9: {  	v38 =	vld [tilespmem:s15+$0x1C030]  }
0x1ea: {  	v0 =	vld.idx.msk [tilespmem:v0+s2+$0x0], $0xffff  }
0x1eb: {  	v9 =	vld.idx.msk [tilespmem:v2+s7+$0x0], $0xffff  }
0x1ec: {  	v2 =	vld [tilespmem:s15+$0x14040]  }
0x1ed: {  	v4 =	vld.idx.msk [tilespmem:v4+s8+$0x0], $0xffff  }
0x1ee: {  	v6 =	vld.idx.msk [tilespmem:v6+s9+$0x0], $0xffff  }
0x1ef: {  	v7 =	vld.idx.msk [tilespmem:v7+s10+$0x0], $0xffff  }
0x1f0: {  	v26 =	vld.idx.msk [tilespmem:v1+s2+$0x0], $0xffff  }
0x1f1: {  	v3 =	vld.idx.msk [tilespmem:v3+s2+$0x0], $0xffff  }
0x1f2: {  	v5 =	vld.idx.msk [tilespmem:v5+s2+$0x0], $0xffff  }
0x1f3: {  	v8 =	vld.idx.msk [tilespmem:v8+s2+$0x0], $0xffff  }
0x1f4: {  	v10 =	vld.idx.msk [tilespmem:v10+s2+$0x0], $0xffff  }
0x1f5: {  	v11 =	vld.idx.msk [tilespmem:v11+s2+$0x0], $0xffff  }
0x1f6: {  	v12 =	vld.idx.msk [tilespmem:v12+s7+$0x0], $0xffff  }
0x1f7: {  	v13 =	vld.idx.msk [tilespmem:v13+s7+$0x0], $0xffff  }
0x1f8: {  	v14 =	vld.idx.msk [tilespmem:v14+s7+$0x0], $0xffff  }
0x1f9: {  	v15 =	vld.idx.msk [tilespmem:v15+s7+$0x0], $0xffff  }
0x1fa: {  	v16 =	vld.idx.msk [tilespmem:v16+s7+$0x0], $0xffff  }
0x1fb: {  	v17 =	vld.idx.msk [tilespmem:v17+s7+$0x0], $0xffff  }
0x1fc: {  	v18 =	vld.idx.msk [tilespmem:v18+s7+$0x0], $0xffff  }
0x1fd: {  	v1 =	vld [tilespmem:s15+$0x1C050]  }
0x1fe: {  	v19 =	vld.idx.msk [tilespmem:v19+s8+$0x0], $0xffff  }
0x1ff: {  	v20 =	vld.idx.msk [tilespmem:v20+s8+$0x0], $0xffff  }
0x200: {  	v55 =	vld.idx.msk [tilespmem:v22+s8+$0x0], $0xffff  }
0x201: {  	v56 =	vld.idx.msk [tilespmem:v23+s8+$0x0], $0xffff;
	v39 =	vadd.f32 $0.0e+00, v0  }
0x202: {  	v57 =	vld.idx.msk [tilespmem:v24+s8+$0x0], $0xffff  }
0x203: {  	v59 =	vld.idx.msk [tilespmem:v30+s9+$0x0], $0xffff;
	v3 =	vadd.f32 $0.0e+00, v3;
	v9 =	vadd.f32 v9, v39  }
0x204: {  	v0 =	vld [tilespmem:s15+$0x1C060]  }
0x205: {  	v3 =	vadd.f32 v13, v3;
	v13 =	vld.idx.msk [tilespmem:v28+s9+$0x0], $0xffff;
	v4 =	vadd.f32 v4, v9  }
0x206: {  	v5 =	vadd.f32 $0.0e+00, v5;
	v10 =	vadd.f32 $0.0e+00, v10;
	v27 =	vld.idx.msk [tilespmem:v2+s2+$0x0], $0xffff  }
0x207: {  	v2 =	vld [tilespmem:s15+$0x1C040];
	v4 =	vadd.f32 v6, v4;
	v6 =	vadd.f32 $0.0e+00, v26  }
0x208: {  	v11 =	vadd.f32 $0.0e+00, v11;
	v9 =	vld.idx.msk [tilespmem:v21+s8+$0x0], $0xffff;
	v60 =	vadd.f32 v20, v3  }
0x209: {  	v3 =	vld.idx.msk [tilespmem:v34+s9+$0x0], $0xffff;
	v58 =	vadd.f32 v7, v4;
	v4 =	vadd.f32 v12, v6  }
0x20a: {  	v6 =	vld.idx.msk [tilespmem:v25+s8+$0x0], $0xffff;
	v7 =	vadd.f32 v14, v5;
	v5 =	vadd.f32 $0.0e+00, v8  }
0x20b: {  	v10 =	vadd.f32 v17, v10;
	v8 =	vadd.f32 $0.0e+00, v27;
	v14 =	vld.idx.msk [tilespmem:v29+s9+$0x0], $0xffff  }
0x20c: {  	v11 =	vadd.f32 v18, v11;
	v12 =	vadd.f32 v15, v5;
	v15 =	vld.idx.msk [tilespmem:v31+s9+$0x0], $0xffff  }
0x20d: {  	v8 =	vadd.f32 v16, v8;
	v16 =	vld.idx.msk [tilespmem:v32+s9+$0x0], $0xffff;
	v17 =	vadd.f32 v19, v4  }
0x20e: {  	v5 =	vld.idx.msk [tilespmem:v33+s9+$0x0], $0xffff;
	v9 =	vadd.f32 v9, v7;
	v7 =	vadd.f32 v57, v10  }
0x20f: {  	v61 =	vadd.f32 v55, v12;
	v62 =	vadd.f32 v56, v8;
	v12 =	vld.idx.msk [tilespmem:v35+s10+$0x0], $0xffff  }
0x210: {  	v10 =	vadd.f32 v13, v17;
	v13 =	vld.idx.msk [tilespmem:v36+s10+$0x0], $0xffff;
	v8 =	vadd.f32 v59, v9  }
0x211: {  	v4 =	vadd.f32 v6, v11;
	v11 =	vadd.f32 v14, v60;
	v14 =	vld.idx.msk [tilespmem:v37+s10+$0x0], $0xffff  }
0x212: {  	s16 =	simm.s32 $0x0;
	[tilespmem:s17+$0x1E000] =	vst v58;
	s17 =	simm.s32 $0x400;
	v9 =	vadd.f32 v15, v61;
	v15 =	vld.idx.msk [tilespmem:v38+s10+$0x0], $0xffff;
	v6 =	vadd.f32 v16, v62  }
.LBB2_6:
0x213: {  	s18 =	sand.u32 $0x1C00, s17;
	s16 =	sadd.s32 $0x8, s16;
	v2 =	vld.idx.msk [tilespmem:v2+s10+$0x0], $0xffff;
	v5 =	vadd.f32 v5, v7;
	s14 =	sadd.s32 $0x10, s14  }
0x214: {  	v3 =	vadd.f32 v3, v4;
	s19 =	sand.u32 $0x380, s14;
	s20 =	sor.u32 s18, s14;
	p0 =	slt.u32 s16, $0x1F8;
	v1 =	vld.idx.msk [tilespmem:v1+s10+$0x0], $0xffff  }
0x215: {  	v4 =	vadd.f32 v12, v10;
	s19 =	sor.u32 s19, s18;
	s18 =	sor.u32 $0x70, s20;
	v0 =	vld.idx.msk [tilespmem:v0+s10+$0x0], $0xffff  }
0x216: {  	v10 =	vadd.f32 v13, v11;
	v7 =	vld [tilespmem:s18+$0x14000]  }
0x217: {  	v11 =	vld [tilespmem:s19+$0x14000];
	[tilespmem:s15+$0x1E000] =	vst v4;
	v4 =	vadd.f32 v14, v8  }
0x218: {  	v9 =	vadd.f32 v15, v9;
	v8 =	vld [tilespmem:s18+$0x16000];
	[tilespmem:s15+$0x1E010] =	vst v10  }
0x219: {  	v2 =	vadd.f32 v2, v6;
	v10 =	vld [tilespmem:s19+$0x14010];
	[tilespmem:s15+$0x1E020] =	vst v4  }
0x21a: {  	v1 =	vadd.f32 v1, v5;
	v4 =	vld [tilespmem:s18+$0x18000];
	[tilespmem:s15+$0x1E030] =	vst v9  }
0x21b: {  	v0 =	vadd.f32 v0, v3;
	v5 =	vld [tilespmem:s19+$0x14020];
	[tilespmem:s15+$0x1E040] =	vst v2  }
0x21c: {  	v2 =	vld [tilespmem:s18+$0x1A000];
	[tilespmem:s15+$0x1E050] =	vst v1  }
0x21d: {  	v1 =	vld [tilespmem:s18+$0x1C000];
	[tilespmem:s15+$0x1E060] =	vst v0;
	s15 =	smov.u32 s19  }
0x21e: {  	v0 =	vld.idx.msk [tilespmem:v7+s2+$0x0], $0xffff  }
0x21f: {  	v3 =	vld [tilespmem:s15+$0x14030]  }
0x220: {  	v6 =	vld.idx.msk [tilespmem:v8+s7+$0x0], $0xffff  }
0x221: {  	v7 =	vld [tilespmem:s15+$0x14040]  }
0x222: {  	v4 =	vld.idx.msk [tilespmem:v4+s8+$0x0], $0xffff  }
0x223: {  	v8 =	vld [tilespmem:s15+$0x14050]  }
0x224: {  	v0 =	vadd.f32 $0.0e+00, v0;
	v2 =	vld.idx.msk [tilespmem:v2+s9+$0x0], $0xffff  }
0x225: {  	v9 =	vld [tilespmem:s15+$0x14060]  }
0x226: {  	v0 =	vadd.f32 v6, v0;
	v1 =	vld.idx.msk [tilespmem:v1+s10+$0x0], $0xffff  }
0x227: {  	v6 =	vld [tilespmem:s15+$0x16000]  }
0x228: {  	v0 =	vadd.f32 v4, v0;
	v12 =	vld [tilespmem:s15+$0x16010]  }
0x229: {  	v4 =	vld [tilespmem:s15+$0x16020]  }
0x22a: {  	v0 =	vadd.f32 v2, v0;
	v13 =	vld [tilespmem:s15+$0x16030]  }
0x22b: {  	v2 =	vld [tilespmem:s15+$0x16040]  }
0x22c: {  	v0 =	vadd.f32 v1, v0;
	v14 =	vld [tilespmem:s15+$0x16050]  }
0x22d: {  	v1 =	vld [tilespmem:s15+$0x16060]  }
0x22e: {  	v15 =	vld [tilespmem:s15+$0x18000];
	[tilespmem:s18+$0x1E000] =	vst v0  }
0x22f: {  	v16 =	vld [tilespmem:s15+$0x18010]  }
0x230: {  	v17 =	vld [tilespmem:s15+$0x18020]  }
0x231: {  	v18 =	vld [tilespmem:s15+$0x18030]  }
0x232: {  	v19 =	vld [tilespmem:s15+$0x18040]  }
0x233: {  	v20 =	vld [tilespmem:s15+$0x18050]  }
0x234: {  	v21 =	vld [tilespmem:s15+$0x18060]  }
0x235: {  	v0 =	vld.idx.msk [tilespmem:v11+s2+$0x0], $0xffff  }
0x236: {  	v10 =	vld.idx.msk [tilespmem:v10+s2+$0x0], $0xffff  }
0x237: {  	v5 =	vld.idx.msk [tilespmem:v5+s2+$0x0], $0xffff  }
0x238: {  	v3 =	vld.idx.msk [tilespmem:v3+s2+$0x0], $0xffff  }
0x239: {  	v7 =	vld.idx.msk [tilespmem:v7+s2+$0x0], $0xffff  }
0x23a: {  	v8 =	vld.idx.msk [tilespmem:v8+s2+$0x0], $0xffff  }
0x23b: {  	v0 =	vadd.f32 $0.0e+00, v0;
	v9 =	vld.idx.msk [tilespmem:v9+s2+$0x0], $0xffff  }
0x23c: {  	v10 =	vadd.f32 $0.0e+00, v10;
	v11 =	vld [tilespmem:s15+$0x1A000]  }
0x23d: {  	v5 =	vadd.f32 $0.0e+00, v5;
	v22 =	vld [tilespmem:s15+$0x1A010]  }
0x23e: {  	v3 =	vadd.f32 $0.0e+00, v3;
	v23 =	vld [tilespmem:s15+$0x1A020]  }
0x23f: {  	v7 =	vadd.f32 $0.0e+00, v7;
	v24 =	vld [tilespmem:s15+$0x1A030]  }
0x240: {  	v8 =	vadd.f32 $0.0e+00, v8;
	v25 =	vld [tilespmem:s15+$0x1A040]  }
0x241: {  	v9 =	vadd.f32 $0.0e+00, v9;
	v26 =	vld [tilespmem:s15+$0x1A050]  }
0x242: {  	v27 =	vld [tilespmem:s15+$0x1A060]  }
0x243: {  	v6 =	vld.idx.msk [tilespmem:v6+s7+$0x0], $0xffff  }
0x244: {  	v12 =	vld.idx.msk [tilespmem:v12+s7+$0x0], $0xffff  }
0x245: {  	v4 =	vld.idx.msk [tilespmem:v4+s7+$0x0], $0xffff  }
0x246: {  	v13 =	vld.idx.msk [tilespmem:v13+s7+$0x0], $0xffff  }
0x247: {  	v2 =	vld.idx.msk [tilespmem:v2+s7+$0x0], $0xffff  }
0x248: {  	v14 =	vld.idx.msk [tilespmem:v14+s7+$0x0], $0xffff  }
0x249: {  	v6 =	vadd.f32 v6, v0;
	v0 =	vld.idx.msk [tilespmem:v1+s7+$0x0], $0xffff  }
0x24a: {  	v10 =	vadd.f32 v12, v10;
	v28 =	vld [tilespmem:s15+$0x1C000]  }
0x24b: {  	v4 =	vadd.f32 v4, v5;
	v29 =	vld [tilespmem:s15+$0x1C010]  }
0x24c: {  	v3 =	vadd.f32 v13, v3;
	v30 =	vld [tilespmem:s15+$0x1C020]  }
0x24d: {  	v5 =	vadd.f32 v2, v7;
	v31 =	vld [tilespmem:s15+$0x1C030]  }
0x24e: {  	v7 =	vadd.f32 v14, v8;
	v2 =	vld [tilespmem:s15+$0x1C040]  }
0x24f: {  	v8 =	vadd.f32 v0, v9;
	v1 =	vld [tilespmem:s15+$0x1C050]  }
0x250: {  	v0 =	vld [tilespmem:s15+$0x1C060]  }
0x251: {  	v9 =	vld.idx.msk [tilespmem:v15+s8+$0x0], $0xffff  }
0x252: {  	v12 =	vld.idx.msk [tilespmem:v16+s8+$0x0], $0xffff  }
0x253: {  	v13 =	vld.idx.msk [tilespmem:v17+s8+$0x0], $0xffff  }
0x254: {  	v14 =	vld.idx.msk [tilespmem:v18+s8+$0x0], $0xffff  }
0x255: {  	v15 =	vld.idx.msk [tilespmem:v19+s8+$0x0], $0xffff  }
0x256: {  	v16 =	vld.idx.msk [tilespmem:v20+s8+$0x0], $0xffff  }
0x257: {  	v6 =	vadd.f32 v9, v6;
	v9 =	vld.idx.msk [tilespmem:v21+s8+$0x0], $0xffff  }
0x258: {  	v17 =	vadd.f32 v12, v10;
	v11 =	vld.idx.msk [tilespmem:v11+s9+$0x0], $0xffff  }
0x259: {  	v19 =	vadd.f32 v13, v4;
	v18 =	vld.idx.msk [tilespmem:v22+s9+$0x0], $0xffff  }
0x25a: {  	v21 =	vadd.f32 v14, v3;
	v20 =	vld.idx.msk [tilespmem:v23+s9+$0x0], $0xffff  }
0x25b: {  	v23 =	vadd.f32 v15, v5;
	v22 =	vld.idx.msk [tilespmem:v24+s9+$0x0], $0xffff  }
0x25c: {  	v7 =	vadd.f32 v16, v7;
	v24 =	vld.idx.msk [tilespmem:v25+s9+$0x0], $0xffff  }
0x25d: {  	v4 =	vadd.f32 v9, v8;
	v5 =	vld.idx.msk [tilespmem:v26+s9+$0x0], $0xffff  }
.Ltmp2:
0x25e: {  	v10 =	vadd.f32 v11, v6;
	v3 =	vld.idx.msk [tilespmem:v27+s9+$0x0], $0xffff;
	(pc) =	sbr.rel @p0 .LBB2_6-.Ltmp2, $4  }
0x25f: {  	v11 =	vadd.f32 v18, v17;
	v12 =	vld.idx.msk [tilespmem:v28+s10+$0x0], $0xffff  }
0x260: {  	v8 =	vadd.f32 v20, v19;
	v13 =	vld.idx.msk [tilespmem:v29+s10+$0x0], $0xffff  }
0x261: {  	v9 =	vadd.f32 v22, v21;
	v14 =	vld.idx.msk [tilespmem:v30+s10+$0x0], $0xffff  }
0x262: {  	s17 =	sadd.s32 $0x400, s17;
	v6 =	vadd.f32 v24, v23;
	v15 =	vld.idx.msk [tilespmem:v31+s10+$0x0], $0xffff  }
0x263: {  	_ =	sdelay $0x3  }
0x264: {  	v2 =	vld.idx.msk [tilespmem:v2+s10+$0x0], $0xffff  }
0x265: {  	v1 =	vld.idx.msk [tilespmem:v1+s10+$0x0], $0xffff;
	v10 =	vadd.f32 v12, v10  }
0x266: {  	v0 =	vld.idx.msk [tilespmem:v0+s10+$0x0], $0xffff;
	v11 =	vadd.f32 v13, v11  }
0x267: {  	[tilespmem:s15+$0x1E000] =	vst v10;
	v8 =	vadd.f32 v14, v8  }
0x268: {  	v5 =	vadd.f32 v5, v7;
	[tilespmem:s15+$0x1E010] =	vst v11;
	v7 =	vadd.f32 v15, v9  }
0x269: {  	v3 =	vadd.f32 v3, v4;
	[tilespmem:s15+$0x1E020] =	vst v8;
	v2 =	vadd.f32 v2, v6  }
0x26a: {  	v1 =	vadd.f32 v1, v5;
	[tilespmem:s15+$0x1E030] =	vst v7  }
0x26b: {  	v0 =	vadd.f32 v0, v3;
	[tilespmem:s15+$0x1E040] =	vst v2  }
0x26c: {  	[tilespmem:s15+$0x1E050] =	vst v1  }
0x26d: {  	s14 =	simm.s32 $0x0;
	[tilespmem:s15+$0x1E060] =	vst v0  }
0x26e: {  	[hbm4b:s21+s14] =	stream.linear.scatter [tilespmem:s11], [sflag:$0x3], $0x2000, $0x38;
	v63 =	vld [tilespmem:$0x0]  }
0x26f: {  	_ = 	snop  }
0x270: {  	[tilespmem:s30], [sflag:$0x2] =	stream.linear.gather [hbm4b:s22+s14], $0x2000, $0x38;
	v63 =	vld [tilespmem:$0x0]  }
0x271: {  	_ = 	snop  }
0x272: {  	[tilespmem:s31], [sflag:$0x2] =	stream.linear.gather [hbm4b:s24+s14], $0x2000, $0x38;
	v63 =	vld [tilespmem:$0x0]  }
0x273: {  	_ = 	snop  }
0x274: {  	[tilespmem:s0], [sflag:$0x2] =	stream.linear.gather [hbm4b:s26+s14], $0x2000, $0x38;
	v63 =	vld [tilespmem:$0x0]  }
0x275: {  	_ = 	snop  }
0x276: {  	[tilespmem:s1], [sflag:$0x2] =	stream.linear.gather [hbm4b:s28+s14], $0x2000, $0x38;
	v63 =	vld [tilespmem:$0x0]  }
0x277: {  	_ = 	snop  }
0x278: {  	[tilespmem:s3], [sflag:$0x2] =	stream.linear.gather [hbm4b:s29+s14], $0x2000, $0x38;
	v63 =	vld [tilespmem:$0x0]  }
0x279: {  	_ =	swait.ge [sflag:s6], $0x2000  }
0x27a: {  	[sflag:s6] =	ssyncset.done $0x0  }
0x27b: {  	[sflag:s6] =	ssyncadd.s32 $0xFFFFE000  }
0x27c: {  	_ =	swait.ge [sflag:s6], $0x2000  }
0x27d: {  	[sflag:s6] =	ssyncset.done $0x0  }
0x27e: {  	[sflag:s6] =	ssyncadd.s32 $0xFFFFE000  }
0x27f: {  	_ =	swait.ge [sflag:s6], $0x2000  }
0x280: {  	[sflag:s6] =	ssyncset.done $0x0  }
0x281: {  	[sflag:s6] =	ssyncadd.s32 $0xFFFFE000  }
0x282: {  	_ =	swait.ge [sflag:s6], $0x2000  }
0x283: {  	[sflag:s6] =	ssyncset.done $0x0  }
0x284: {  	[sflag:s6] =	ssyncadd.s32 $0xFFFFE000  }
0x285: {  	_ =	swait.ge [sflag:s6], $0x2000  }
0x286: {  	[sflag:s6] =	ssyncset.done $0x0  }
0x287: {  	[sflag:s6] =	ssyncadd.s32 $0xFFFFE000  }
0x288: {  	s20 =	sand.u32 $0x1C00, s14;
	_ =	swait.ge [sflag:s12], $0x2000  }
0x289: {  	s16 =	sor.u32 s20, s14;
	[sflag:s12] =	ssyncset.done $0x0  }
0x28a: {  	s18 =	sand.u32 $0x380, s14;
	s17 =	sor.u32 $0x70, s16;
	[sflag:s12] =	ssyncadd.s32 $0xFFFFE000  }
0x28b: {  	s15 =	sor.u32 s18, s20;
	v0 =	vld [tilespmem:s17+$0x14000]  }
0x28c: {  	v1 =	vld [tilespmem:s15+$0x14000]  }
0x28d: {  	v2 =	vld [tilespmem:s17+$0x16000]  }
0x28e: {  	v3 =	vld [tilespmem:s15+$0x14010]  }
0x28f: {  	v4 =	vld [tilespmem:s17+$0x18000]  }
0x290: {  	v5 =	vld [tilespmem:s15+$0x14020]  }
0x291: {  	v6 =	vld [tilespmem:s17+$0x1A000]  }
0x292: {  	v7 =	vld [tilespmem:s17+$0x1C000]  }
0x293: {  	v8 =	vld [tilespmem:s15+$0x14030]  }
0x294: {  	v10 =	vld [tilespmem:s15+$0x14050]  }
0x295: {  	v11 =	vld [tilespmem:s15+$0x14060]  }
0x296: {  	v12 =	vld [tilespmem:s15+$0x16000]  }
0x297: {  	v13 =	vld [tilespmem:s15+$0x16010]  }
0x298: {  	v14 =	vld [tilespmem:s15+$0x16020]  }
0x299: {  	v15 =	vld [tilespmem:s15+$0x16030]  }
0x29a: {  	v16 =	vld [tilespmem:s15+$0x16040]  }
0x29b: {  	v17 =	vld [tilespmem:s15+$0x16050]  }
0x29c: {  	v18 =	vld [tilespmem:s15+$0x16060]  }
0x29d: {  	v19 =	vld [tilespmem:s15+$0x18000]  }
0x29e: {  	v20 =	vld [tilespmem:s15+$0x18010]  }
0x29f: {  	v21 =	vld [tilespmem:s15+$0x18020]  }
0x2a0: {  	v22 =	vld [tilespmem:s15+$0x18030]  }
0x2a1: {  	v23 =	vld [tilespmem:s15+$0x18040]  }
0x2a2: {  	v24 =	vld [tilespmem:s15+$0x18050]  }
0x2a3: {  	v25 =	vld [tilespmem:s15+$0x18060]  }
0x2a4: {  	v28 =	vld [tilespmem:s15+$0x1A000]  }
0x2a5: {  	v29 =	vld [tilespmem:s15+$0x1A010]  }
0x2a6: {  	v30 =	vld [tilespmem:s15+$0x1A020]  }
0x2a7: {  	v31 =	vld [tilespmem:s15+$0x1A030]  }
0x2a8: {  	v32 =	vld [tilespmem:s15+$0x1A040]  }
0x2a9: {  	v33 =	vld [tilespmem:s15+$0x1A050]  }
0x2aa: {  	v34 =	vld [tilespmem:s15+$0x1A060]  }
0x2ab: {  	v35 =	vld [tilespmem:s15+$0x1C000]  }
0x2ac: {  	v36 =	vld [tilespmem:s15+$0x1C010]  }
0x2ad: {  	v37 =	vld [tilespmem:s15+$0x1C020]  }
0x2ae: {  	v38 =	vld [tilespmem:s15+$0x1C030]  }
0x2af: {  	v0 =	vld.idx.msk [tilespmem:v0+s2+$0x0], $0xffff  }
0x2b0: {  	v9 =	vld.idx.msk [tilespmem:v2+s7+$0x0], $0xffff  }
0x2b1: {  	v2 =	vld [tilespmem:s15+$0x14040]  }
0x2b2: {  	v4 =	vld.idx.msk [tilespmem:v4+s8+$0x0], $0xffff  }
0x2b3: {  	v6 =	vld.idx.msk [tilespmem:v6+s9+$0x0], $0xffff  }
0x2b4: {  	v7 =	vld.idx.msk [tilespmem:v7+s10+$0x0], $0xffff  }
0x2b5: {  	v26 =	vld.idx.msk [tilespmem:v1+s2+$0x0], $0xffff  }
0x2b6: {  	v3 =	vld.idx.msk [tilespmem:v3+s2+$0x0], $0xffff  }
0x2b7: {  	v5 =	vld.idx.msk [tilespmem:v5+s2+$0x0], $0xffff  }
0x2b8: {  	v8 =	vld.idx.msk [tilespmem:v8+s2+$0x0], $0xffff  }
0x2b9: {  	v10 =	vld.idx.msk [tilespmem:v10+s2+$0x0], $0xffff  }
0x2ba: {  	v11 =	vld.idx.msk [tilespmem:v11+s2+$0x0], $0xffff  }
0x2bb: {  	v12 =	vld.idx.msk [tilespmem:v12+s7+$0x0], $0xffff  }
0x2bc: {  	v13 =	vld.idx.msk [tilespmem:v13+s7+$0x0], $0xffff  }
0x2bd: {  	v14 =	vld.idx.msk [tilespmem:v14+s7+$0x0], $0xffff  }
0x2be: {  	v15 =	vld.idx.msk [tilespmem:v15+s7+$0x0], $0xffff  }
0x2bf: {  	v16 =	vld.idx.msk [tilespmem:v16+s7+$0x0], $0xffff  }
0x2c0: {  	v17 =	vld.idx.msk [tilespmem:v17+s7+$0x0], $0xffff  }
0x2c1: {  	v18 =	vld.idx.msk [tilespmem:v18+s7+$0x0], $0xffff  }
0x2c2: {  	v1 =	vld [tilespmem:s15+$0x1C050]  }
0x2c3: {  	v19 =	vld.idx.msk [tilespmem:v19+s8+$0x0], $0xffff  }
0x2c4: {  	v20 =	vld.idx.msk [tilespmem:v20+s8+$0x0], $0xffff  }
0x2c5: {  	v55 =	vld.idx.msk [tilespmem:v22+s8+$0x0], $0xffff  }
0x2c6: {  	v56 =	vld.idx.msk [tilespmem:v23+s8+$0x0], $0xffff;
	v39 =	vadd.f32 $0.0e+00, v0  }
0x2c7: {  	v57 =	vld.idx.msk [tilespmem:v24+s8+$0x0], $0xffff  }
0x2c8: {  	v59 =	vld.idx.msk [tilespmem:v30+s9+$0x0], $0xffff;
	v3 =	vadd.f32 $0.0e+00, v3;
	v9 =	vadd.f32 v9, v39  }
0x2c9: {  	v0 =	vld [tilespmem:s15+$0x1C060]  }
0x2ca: {  	v3 =	vadd.f32 v13, v3;
	v13 =	vld.idx.msk [tilespmem:v28+s9+$0x0], $0xffff;
	v4 =	vadd.f32 v4, v9  }
0x2cb: {  	v5 =	vadd.f32 $0.0e+00, v5;
	v10 =	vadd.f32 $0.0e+00, v10;
	v27 =	vld.idx.msk [tilespmem:v2+s2+$0x0], $0xffff  }
0x2cc: {  	v2 =	vld [tilespmem:s15+$0x1C040];
	v4 =	vadd.f32 v6, v4;
	v6 =	vadd.f32 $0.0e+00, v26  }
0x2cd: {  	v11 =	vadd.f32 $0.0e+00, v11;
	v9 =	vld.idx.msk [tilespmem:v21+s8+$0x0], $0xffff;
	v60 =	vadd.f32 v20, v3  }
0x2ce: {  	v3 =	vld.idx.msk [tilespmem:v34+s9+$0x0], $0xffff;
	v58 =	vadd.f32 v7, v4;
	v4 =	vadd.f32 v12, v6  }
0x2cf: {  	v6 =	vld.idx.msk [tilespmem:v25+s8+$0x0], $0xffff;
	v7 =	vadd.f32 v14, v5;
	v5 =	vadd.f32 $0.0e+00, v8  }
0x2d0: {  	v10 =	vadd.f32 v17, v10;
	v8 =	vadd.f32 $0.0e+00, v27;
	v14 =	vld.idx.msk [tilespmem:v29+s9+$0x0], $0xffff  }
0x2d1: {  	v11 =	vadd.f32 v18, v11;
	v12 =	vadd.f32 v15, v5;
	v15 =	vld.idx.msk [tilespmem:v31+s9+$0x0], $0xffff  }
0x2d2: {  	v8 =	vadd.f32 v16, v8;
	v16 =	vld.idx.msk [tilespmem:v32+s9+$0x0], $0xffff;
	v17 =	vadd.f32 v19, v4  }
0x2d3: {  	v5 =	vld.idx.msk [tilespmem:v33+s9+$0x0], $0xffff;
	v9 =	vadd.f32 v9, v7;
	v7 =	vadd.f32 v57, v10  }
0x2d4: {  	v61 =	vadd.f32 v55, v12;
	v62 =	vadd.f32 v56, v8;
	v12 =	vld.idx.msk [tilespmem:v35+s10+$0x0], $0xffff  }
0x2d5: {  	v10 =	vadd.f32 v13, v17;
	v13 =	vld.idx.msk [tilespmem:v36+s10+$0x0], $0xffff;
	v8 =	vadd.f32 v59, v9  }
0x2d6: {  	v4 =	vadd.f32 v6, v11;
	v11 =	vadd.f32 v14, v60;
	v14 =	vld.idx.msk [tilespmem:v37+s10+$0x0], $0xffff  }
0x2d7: {  	s16 =	simm.s32 $0x0;
	[tilespmem:s17+$0x1E000] =	vst v58;
	s17 =	simm.s32 $0x400;
	v9 =	vadd.f32 v15, v61;
	v15 =	vld.idx.msk [tilespmem:v38+s10+$0x0], $0xffff;
	v6 =	vadd.f32 v16, v62  }
.LBB2_8:
0x2d8: {  	s18 =	sand.u32 $0x1C00, s17;
	s16 =	sadd.s32 $0x8, s16;
	v2 =	vld.idx.msk [tilespmem:v2+s10+$0x0], $0xffff;
	v5 =	vadd.f32 v5, v7;
	s14 =	sadd.s32 $0x10, s14  }
0x2d9: {  	v3 =	vadd.f32 v3, v4;
	s19 =	sand.u32 $0x380, s14;
	s20 =	sor.u32 s18, s14;
	p0 =	slt.u32 s16, $0x1F8;
	v1 =	vld.idx.msk [tilespmem:v1+s10+$0x0], $0xffff  }
0x2da: {  	v4 =	vadd.f32 v12, v10;
	s19 =	sor.u32 s19, s18;
	s18 =	sor.u32 $0x70, s20;
	v0 =	vld.idx.msk [tilespmem:v0+s10+$0x0], $0xffff  }
0x2db: {  	v10 =	vadd.f32 v13, v11;
	v7 =	vld [tilespmem:s18+$0x14000]  }
0x2dc: {  	v11 =	vld [tilespmem:s19+$0x14000];
	[tilespmem:s15+$0x1E000] =	vst v4;
	v4 =	vadd.f32 v14, v8  }
0x2dd: {  	v9 =	vadd.f32 v15, v9;
	v8 =	vld [tilespmem:s18+$0x16000];
	[tilespmem:s15+$0x1E010] =	vst v10  }
0x2de: {  	v2 =	vadd.f32 v2, v6;
	v10 =	vld [tilespmem:s19+$0x14010];
	[tilespmem:s15+$0x1E020] =	vst v4  }
0x2df: {  	v1 =	vadd.f32 v1, v5;
	v4 =	vld [tilespmem:s18+$0x18000];
	[tilespmem:s15+$0x1E030] =	vst v9  }
0x2e0: {  	v0 =	vadd.f32 v0, v3;
	v5 =	vld [tilespmem:s19+$0x14020];
	[tilespmem:s15+$0x1E040] =	vst v2  }
0x2e1: {  	v2 =	vld [tilespmem:s18+$0x1A000];
	[tilespmem:s15+$0x1E050] =	vst v1  }
0x2e2: {  	v1 =	vld [tilespmem:s18+$0x1C000];
	[tilespmem:s15+$0x1E060] =	vst v0;
	s15 =	smov.u32 s19  }
0x2e3: {  	v0 =	vld.idx.msk [tilespmem:v7+s2+$0x0], $0xffff  }
0x2e4: {  	v3 =	vld [tilespmem:s15+$0x14030]  }
0x2e5: {  	v6 =	vld.idx.msk [tilespmem:v8+s7+$0x0], $0xffff  }
0x2e6: {  	v7 =	vld [tilespmem:s15+$0x14040]  }
0x2e7: {  	v4 =	vld.idx.msk [tilespmem:v4+s8+$0x0], $0xffff  }
0x2e8: {  	v8 =	vld [tilespmem:s15+$0x14050]  }
0x2e9: {  	v0 =	vadd.f32 $0.0e+00, v0;
	v2 =	vld.idx.msk [tilespmem:v2+s9+$0x0], $0xffff  }
0x2ea: {  	v9 =	vld [tilespmem:s15+$0x14060]  }
0x2eb: {  	v0 =	vadd.f32 v6, v0;
	v1 =	vld.idx.msk [tilespmem:v1+s10+$0x0], $0xffff  }
0x2ec: {  	v6 =	vld [tilespmem:s15+$0x16000]  }
0x2ed: {  	v0 =	vadd.f32 v4, v0;
	v12 =	vld [tilespmem:s15+$0x16010]  }
0x2ee: {  	v4 =	vld [tilespmem:s15+$0x16020]  }
0x2ef: {  	v0 =	vadd.f32 v2, v0;
	v13 =	vld [tilespmem:s15+$0x16030]  }
0x2f0: {  	v2 =	vld [tilespmem:s15+$0x16040]  }
0x2f1: {  	v0 =	vadd.f32 v1, v0;
	v14 =	vld [tilespmem:s15+$0x16050]  }
0x2f2: {  	v1 =	vld [tilespmem:s15+$0x16060]  }
0x2f3: {  	v15 =	vld [tilespmem:s15+$0x18000];
	[tilespmem:s18+$0x1E000] =	vst v0  }
0x2f4: {  	v16 =	vld [tilespmem:s15+$0x18010]  }
0x2f5: {  	v17 =	vld [tilespmem:s15+$0x18020]  }
0x2f6: {  	v18 =	vld [tilespmem:s15+$0x18030]  }
0x2f7: {  	v19 =	vld [tilespmem:s15+$0x18040]  }
0x2f8: {  	v20 =	vld [tilespmem:s15+$0x18050]  }
0x2f9: {  	v21 =	vld [tilespmem:s15+$0x18060]  }
0x2fa: {  	v0 =	vld.idx.msk [tilespmem:v11+s2+$0x0], $0xffff  }
0x2fb: {  	v10 =	vld.idx.msk [tilespmem:v10+s2+$0x0], $0xffff  }
0x2fc: {  	v5 =	vld.idx.msk [tilespmem:v5+s2+$0x0], $0xffff  }
0x2fd: {  	v3 =	vld.idx.msk [tilespmem:v3+s2+$0x0], $0xffff  }
0x2fe: {  	v7 =	vld.idx.msk [tilespmem:v7+s2+$0x0], $0xffff  }
0x2ff: {  	v8 =	vld.idx.msk [tilespmem:v8+s2+$0x0], $0xffff  }
0x300: {  	v0 =	vadd.f32 $0.0e+00, v0;
	v9 =	vld.idx.msk [tilespmem:v9+s2+$0x0], $0xffff  }
0x301: {  	v10 =	vadd.f32 $0.0e+00, v10;
	v11 =	vld [tilespmem:s15+$0x1A000]  }
0x302: {  	v5 =	vadd.f32 $0.0e+00, v5;
	v22 =	vld [tilespmem:s15+$0x1A010]  }
0x303: {  	v3 =	vadd.f32 $0.0e+00, v3;
	v23 =	vld [tilespmem:s15+$0x1A020]  }
0x304: {  	v7 =	vadd.f32 $0.0e+00, v7;
	v24 =	vld [tilespmem:s15+$0x1A030]  }
0x305: {  	v8 =	vadd.f32 $0.0e+00, v8;
	v25 =	vld [tilespmem:s15+$0x1A040]  }
0x306: {  	v9 =	vadd.f32 $0.0e+00, v9;
	v26 =	vld [tilespmem:s15+$0x1A050]  }
0x307: {  	v27 =	vld [tilespmem:s15+$0x1A060]  }
0x308: {  	v6 =	vld.idx.msk [tilespmem:v6+s7+$0x0], $0xffff  }
0x309: {  	v12 =	vld.idx.msk [tilespmem:v12+s7+$0x0], $0xffff  }
0x30a: {  	v4 =	vld.idx.msk [tilespmem:v4+s7+$0x0], $0xffff  }
0x30b: {  	v13 =	vld.idx.msk [tilespmem:v13+s7+$0x0], $0xffff  }
0x30c: {  	v2 =	vld.idx.msk [tilespmem:v2+s7+$0x0], $0xffff  }
0x30d: {  	v14 =	vld.idx.msk [tilespmem:v14+s7+$0x0], $0xffff  }
0x30e: {  	v6 =	vadd.f32 v6, v0;
	v0 =	vld.idx.msk [tilespmem:v1+s7+$0x0], $0xffff  }
0x30f: {  	v10 =	vadd.f32 v12, v10;
	v28 =	vld [tilespmem:s15+$0x1C000]  }
0x310: {  	v4 =	vadd.f32 v4, v5;
	v29 =	vld [tilespmem:s15+$0x1C010]  }
0x311: {  	v3 =	vadd.f32 v13, v3;
	v30 =	vld [tilespmem:s15+$0x1C020]  }
0x312: {  	v5 =	vadd.f32 v2, v7;
	v31 =	vld [tilespmem:s15+$0x1C030]  }
0x313: {  	v7 =	vadd.f32 v14, v8;
	v2 =	vld [tilespmem:s15+$0x1C040]  }
0x314: {  	v8 =	vadd.f32 v0, v9;
	v1 =	vld [tilespmem:s15+$0x1C050]  }
0x315: {  	v0 =	vld [tilespmem:s15+$0x1C060]  }
0x316: {  	v9 =	vld.idx.msk [tilespmem:v15+s8+$0x0], $0xffff  }
0x317: {  	v12 =	vld.idx.msk [tilespmem:v16+s8+$0x0], $0xffff  }
0x318: {  	v13 =	vld.idx.msk [tilespmem:v17+s8+$0x0], $0xffff  }
0x319: {  	v14 =	vld.idx.msk [tilespmem:v18+s8+$0x0], $0xffff  }
0x31a: {  	v15 =	vld.idx.msk [tilespmem:v19+s8+$0x0], $0xffff  }
0x31b: {  	v16 =	vld.idx.msk [tilespmem:v20+s8+$0x0], $0xffff  }
0x31c: {  	v6 =	vadd.f32 v9, v6;
	v9 =	vld.idx.msk [tilespmem:v21+s8+$0x0], $0xffff  }
0x31d: {  	v17 =	vadd.f32 v12, v10;
	v11 =	vld.idx.msk [tilespmem:v11+s9+$0x0], $0xffff  }
0x31e: {  	v19 =	vadd.f32 v13, v4;
	v18 =	vld.idx.msk [tilespmem:v22+s9+$0x0], $0xffff  }
0x31f: {  	v21 =	vadd.f32 v14, v3;
	v20 =	vld.idx.msk [tilespmem:v23+s9+$0x0], $0xffff  }
0x320: {  	v23 =	vadd.f32 v15, v5;
	v22 =	vld.idx.msk [tilespmem:v24+s9+$0x0], $0xffff  }
0x321: {  	v7 =	vadd.f32 v16, v7;
	v24 =	vld.idx.msk [tilespmem:v25+s9+$0x0], $0xffff  }
0x322: {  	v4 =	vadd.f32 v9, v8;
	v5 =	vld.idx.msk [tilespmem:v26+s9+$0x0], $0xffff  }
.Ltmp3:
0x323: {  	v10 =	vadd.f32 v11, v6;
	v3 =	vld.idx.msk [tilespmem:v27+s9+$0x0], $0xffff;
	(pc) =	sbr.rel @p0 .LBB2_8-.Ltmp3, $4  }
0x324: {  	v11 =	vadd.f32 v18, v17;
	v12 =	vld.idx.msk [tilespmem:v28+s10+$0x0], $0xffff  }
0x325: {  	v8 =	vadd.f32 v20, v19;
	v13 =	vld.idx.msk [tilespmem:v29+s10+$0x0], $0xffff  }
0x326: {  	v9 =	vadd.f32 v22, v21;
	v14 =	vld.idx.msk [tilespmem:v30+s10+$0x0], $0xffff  }
0x327: {  	s17 =	sadd.s32 $0x400, s17;
	v6 =	vadd.f32 v24, v23;
	v15 =	vld.idx.msk [tilespmem:v31+s10+$0x0], $0xffff  }
0x328: {  	_ =	sdelay $0x3  }
0x329: {  	v2 =	vld.idx.msk [tilespmem:v2+s10+$0x0], $0xffff  }
0x32a: {  	v1 =	vld.idx.msk [tilespmem:v1+s10+$0x0], $0xffff;
	v10 =	vadd.f32 v12, v10  }
0x32b: {  	v0 =	vld.idx.msk [tilespmem:v0+s10+$0x0], $0xffff;
	v11 =	vadd.f32 v13, v11  }
0x32c: {  	[tilespmem:s15+$0x1E000] =	vst v10;
	v8 =	vadd.f32 v14, v8  }
0x32d: {  	v5 =	vadd.f32 v5, v7;
	[tilespmem:s15+$0x1E010] =	vst v11;
	v62 =	vadd.f32 v15, v9  }
0x32e: {  	v3 =	vadd.f32 v3, v4;
	[tilespmem:s15+$0x1E020] =	vst v8;
	v2 =	vadd.f32 v2, v6  }
0x32f: {  	v1 =	vadd.f32 v1, v5;
	[tilespmem:s15+$0x1E030] =	vst v62  }
0x330: {  	s13 =	sadd.s32 $0x1, s13;
	v0 =	vadd.f32 v0, v3;
	[tilespmem:s15+$0x1E040] =	vst v2  }
0x331: {  	p0 =	sne.s32 s13, s25;
	[tilespmem:s15+$0x1E050] =	vst v1  }
.Ltmp4:
0x332: {  	[tilespmem:s15+$0x1E060] =	vst v0;
	(pc) =	sbr.rel @p0 .LBB2_1-.Ltmp4, $4  }
0x333: {  	[hbm4b:s23+s2] =	stream.linear.scatter [tilespmem:s11], [sflag:$0x3], $0x2000, $0x38;
	v63 =	vld [tilespmem:$0x0]  }
0x334: {  	_ =	swait.ge [sflag:s12], $0x2000  }
0x335: {  	[sflag:s12] =	ssyncset.done $0x0  }
0x336: {  	[sflag:s12] =	ssyncadd.s32 $0xFFFFE000  }
0x337: {  	_ =	sfence.sel $0x180000  }
0x338: {  	[bflag:$0x0] =	sbarrier.arrive $0xFFFF  }
0x339: {  	_ =	strace $0x90000047  }
0x33a: {  	s0 =	stileid.u32;
	[bflag:$0x2] =	sbarrier.arrive $0xFFFF  }
0x33b: {  	p0 =	sne.s32 s0, $0x0;
	s0 =	rddreg [dreg:$0x3]  }
0x33c: {  	s0 =	sadd.s32 @!p0 $0x100000, s0  }
0x33d: {  	[sflag:s0] =	ssyncadd.tile.s32 @!p0 $0x1;
	_ =	shalt  }
.Lfunc_end2:
_tile_overlayer_lowered:
.L_overlay_start_2:
0x33e: {  	(tag) =	ssettag $0x2  }
0x33f: {  	s0 =	rddreg [dreg:$0x0];
	s2 =	stileid.u32  }
0x340: {  	s1 =	rddreg [dreg:$0x1];
	p0 =	sne.s32 s2, $0x0  }
0x341: {  	s3 =	rddreg [dreg:$0x2];
	[bflag:$0x3] =	sbarrier.arrive $0xFFFF;
	s2 =	simm.s32 @!p0 $0x1C04  }
0x342: {  	[timem:s3], [sflag:s2] =	dma.local @!p0 [hbm:s0], s1  }
0x343: {  	s0 =	simm.s32 @!p0 $0x4  }
0x344: {  	_ =	swait.ge @!p0 [sflag:s0], s1  }
0x345: {  	s1 =	ssub.s32 @!p0 $0x0, s1;
	[sflag:s0] =	ssyncset.done @!p0 $0x0  }
0x346: {  	[sflag:s0] =	ssyncadd.s32 @!p0 s1  }
0x347: {  	[bflag:$0x3] =	sbarrier.arrive $0xFFFF  }
0x348: {  	_ =	shalt  }

</sc_bundles>
